<compile_context>
chip_gen: v7x
topology: tpu7x:2x2x1
jax: 0.10.2.dev20260603
libtpu: 0.0.44.dev20260713+nightly
codegen_flags: <defaults>
</compile_context>

<pallas_src>
import functools

import jax
import jax.numpy as jnp
from jax import lax
from jax.experimental import pallas as pl
from jax.experimental.pallas import tpu as pltpu
from jax.experimental.pallas import tpu_sc as plsc

_NUM_WORKERS = 32
_CHUNK_ROWS = 16
_NBUF = 7


def kernel(inputs, weights):
    bsz, seq_len = inputs.shape
    out_rows = 2 * seq_len
    dim = weights.shape[1]
    row_off = (weights.shape[0] // 2 + 1) - seq_len
    rows_per_w = out_rows // _NUM_WORKERS
    nchunks = rows_per_w // _CHUNK_ROWS

    mesh = plsc.VectorSubcoreMesh(core_axis_name="c", subcore_axis_name="s")

    @functools.partial(
        pl.kernel,
        mesh=mesh,
        out_type=jax.ShapeDtypeStruct((out_rows, dim), jnp.float32),
        scratch_types=[pltpu.VMEM((_CHUNK_ROWS, dim), jnp.float32)] * _NBUF
        + [pltpu.VMEM((_CHUNK_ROWS,), jnp.int32)] * _NBUF
        + [
            pltpu.SemaphoreType.DMA,
            pltpu.SemaphoreType.DMA,
        ],
    )
    def copy_k(w_hbm, out_hbm, *rest):
        bufs = rest[:_NBUF]
        idxs = rest[_NBUF : 2 * _NBUF]
        sem_in, sem_out = rest[2 * _NBUF :]
        wid = lax.axis_index("s") * 2 + lax.axis_index("c")
        base = wid * rows_per_w

        def in_copy(i):
            b = i % _NBUF
            start = base + row_off + i * _CHUNK_ROWS
            for k in range(_CHUNK_ROWS // 16):
                idxs[b][pl.ds(k * 16, 16)] = start + k * 16 + lax.iota(
                    jnp.int32, 16
                )
            return pltpu.async_copy(w_hbm.at[idxs[b]], bufs[b], sem_in)

        def out_copy(i):
            return pltpu.make_async_copy(
                bufs[i % _NBUF],
                out_hbm.at[pl.ds(base + i * _CHUNK_ROWS, _CHUNK_ROWS)],
                sem_out,
            )

        pending = []
        for j in range(min(_NBUF - 1, nchunks)):
            pending.append(in_copy(j))
        for i in range(nchunks):
            j = i + _NBUF - 1
            if j < nchunks:
                if j >= _NBUF:
                    out_copy(j - _NBUF).wait()
                pending.append(in_copy(j))
            pending.pop(0).wait()
            out_copy(i).start()
        for i in range(max(0, nchunks - _NBUF), nchunks):
            out_copy(i).wait()

    return copy_k(weights)

# --- scband reference (transcript-rebuilt; emitter-appended) ---
"""Pipeline reference for scband-relative-embedding-17386027614583 (READ-ONLY COPY).

The authoritative reference and input builder live on the scoring server;
editing this copy changes nothing except your own understanding.
"""

import math
import jax, jax.numpy as jnp
import numpy as np

EMBEDDING_DIM = 1024
INIT_SIZE = 8192
NUM_EMBEDDINGS = INIT_SIZE + 1
ORIGIN_SHIFT = NUM_EMBEDDINGS // 2 + 1  # 4097


def get_embedding(num_embeddings, embedding_dim):
    half_dim = embedding_dim // 2
    emb_scale = math.log(10000) / (half_dim - 1)
    inv_freq = jnp.exp(jnp.arange(half_dim, dtype=jnp.float32) * -emb_scale)
    # torch.arange(-num_embeddings // 2, num_embeddings // 2) with python floor division
    lo = -(-(-num_embeddings // 2))  # == (-num_embeddings) // 2 floor semantics
    lo = (-num_embeddings) // 2
    hi = num_embeddings // 2
    pos = jnp.arange(lo, hi, dtype=jnp.float32)
    emb = pos[:, None] * inv_freq[None, :]
    emb = jnp.concatenate([jnp.sin(emb), jnp.cos(emb)], axis=1).reshape(num_embeddings, -1)
    if embedding_dim % 2 == 1:
        emb = jnp.concatenate([emb, jnp.zeros((num_embeddings, 1), dtype=jnp.float32)], axis=1)
    return emb


def setup_inputs(seed: int = 0) -> dict:
    key = jax.random.key(seed)
    inputs = jax.random.randint(key, (4, 4096), 0, 32000, dtype=jnp.int64 if jax.config.read('jax_enable_x64') else jnp.int32)
    weights = get_embedding(NUM_EMBEDDINGS, EMBEDDING_DIM)
    return {"inputs": inputs, "weights": weights}


def reference(inputs, weights):
    bsz, seq_len = inputs.shape
    positions = jnp.arange(-seq_len, seq_len, dtype=jnp.int32) + ORIGIN_SHIFT
    embed = jnp.take(weights, positions, axis=0)
    embed = jax.lax.stop_gradient(embed)  # matches .detach() in the torch forward
    return embed

if __name__ == "__main__":
    import jax
    _d = setup_inputs()
    print(jax.jit(kernel)(*tuple(_d.values())))

</pallas_src>

<mosaic_0001>
#map = affine_map<(d0, d1) -> (0, 0)>
module attributes {stable_mosaic.version = 14 : i64} {
  func.func @copy_k(%arg0: i32, %arg1: i32, %arg2: memref<8193x1024xf32, #tpu.memory_space<hbm>>, %arg3: memref<8192x1024xf32, #tpu.memory_space<hbm>>, %arg4: memref<16x1024xf32, #tpu.memory_space<vmem>>, %arg5: memref<16x1024xf32, #tpu.memory_space<vmem>>, %arg6: memref<16x1024xf32, #tpu.memory_space<vmem>>, %arg7: memref<16x1024xf32, #tpu.memory_space<vmem>>, %arg8: memref<16x1024xf32, #tpu.memory_space<vmem>>, %arg9: memref<16x1024xf32, #tpu.memory_space<vmem>>, %arg10: memref<16x1024xf32, #tpu.memory_space<vmem>>, %arg11: memref<16xi32, #tpu.memory_space<vmem>>, %arg12: memref<16xi32, #tpu.memory_space<vmem>>, %arg13: memref<16xi32, #tpu.memory_space<vmem>>, %arg14: memref<16xi32, #tpu.memory_space<vmem>>, %arg15: memref<16xi32, #tpu.memory_space<vmem>>, %arg16: memref<16xi32, #tpu.memory_space<vmem>>, %arg17: memref<16xi32, #tpu.memory_space<vmem>>, %arg18: memref<!tpu.dma_semaphore, #tpu.memory_space<semaphore_mem>>, %arg19: memref<!tpu.dma_semaphore, #tpu.memory_space<semaphore_mem>>) attributes {dimension_semantics = [#tpu.dimension_semantics<core_parallel>, #tpu.dimension_semantics<subcore_parallel>], iteration_bounds = array<i64: 2, 16>, scalar_prefetch = 0 : i64, scratch_operands = 16 : i64, tpu.core_type = #tpu.core_type<sc_vector_subcore>, window_params = [{transform_indices = #map}, {transform_indices = #map}]} {
    %mul3A = arith.constant 2 : i32
    %mul3A_0 = arith.muli %arg1, %mul3A : i32
    %add3A = arith.addi %mul3A_0, %arg0 : i32
    %mul3A_1 = arith.constant 256 : i32
    %mul3A_2 = arith.muli %add3A, %mul3A_1 : i32
    %add3A_3 = arith.constant 1 : i32
    %add3A_4 = arith.addi %mul3A_2, %add3A_3 : i32
    %add3A_5 = arith.constant 0 : i32
    %add3A_6 = arith.addi %add3A_4, %add3A_5 : i32
    %add3A_7 = arith.constant 0 : i32
    %add3A_8 = arith.addi %add3A_6, %add3A_7 : i32
    %iota3A = tpu.iota {dimensions = array<i32: 0>} : vector<16xi32>
    %add3A_9 = vector.broadcast %add3A_8 : i32 to vector<16xi32>
    %add3A_10 = arith.addi %add3A_9, %iota3A : vector<16xi32>
    %swap3A = arith.constant 0 : index
    %swap3A_11 = tpu.vector_load %arg11[%swap3A] {strides = array<i32>} : memref<16xi32, #tpu.memory_space<vmem>>, vector<16xi32>,
    %swap3A_12 = vector.shape_cast %swap3A_11 : vector<16xi32> to vector<16xi32>
    %swap3A_13 = vector.shape_cast %add3A_10 : vector<16xi32> to vector<16xi32>
    tpu.vector_store %arg11[%swap3A], %swap3A_13 {strides = array<i32>} : memref<16xi32, #tpu.memory_space<vmem>>, vector<16xi32>,
    %dma_start3A = arith.constant 0 : i32
    %dma_start3A_14 = arith.constant 0 : i32
    %dma_start3A_15 = tpu.memref_slice %arg2[%dma_start3A, %dma_start3A_14] : memref<8193x1024xf32, #tpu.memory_space<hbm>> -> memref<8193x1024xf32, #tpu.memory_space<hbm>>
    tpu.enqueue_indirect_dma source(%dma_start3A_15 : memref<8193x1024xf32, #tpu.memory_space<hbm>>) target(%arg4 : memref<16x1024xf32, #tpu.memory_space<vmem>>) offsets(%arg11 : memref<16xi32, #tpu.memory_space<vmem>>) semaphore(%arg18 : memref<!tpu.dma_semaphore, #tpu.memory_space<semaphore_mem>>)
    %add3A_16 = arith.constant 1 : i32
    %add3A_17 = arith.addi %mul3A_2, %add3A_16 : i32
    %add3A_18 = arith.constant 16 : i32
    %add3A_19 = arith.addi %add3A_17, %add3A_18 : i32
    %add3A_20 = arith.constant 0 : i32
    %add3A_21 = arith.addi %add3A_19, %add3A_20 : i32
    %iota3A_22 = tpu.iota {dimensions = array<i32: 0>} : vector<16xi32>
    %add3A_23 = vector.broadcast %add3A_21 : i32 to vector<16xi32>
    %add3A_24 = arith.addi %add3A_23, %iota3A_22 : vector<16xi32>
    %swap3A_25 = arith.constant 0 : index
    %swap3A_26 = tpu.vector_load %arg12[%swap3A_25] {strides = array<i32>} : memref<16xi32, #tpu.memory_space<vmem>>, vector<16xi32>,
    %swap3A_27 = vector.shape_cast %swap3A_26 : vector<16xi32> to vector<16xi32>
    %swap3A_28 = vector.shape_cast %add3A_24 : vector<16xi32> to vector<16xi32>
    tpu.vector_store %arg12[%swap3A_25], %swap3A_28 {strides = array<i32>} : memref<16xi32, #tpu.memory_space<vmem>>, vector<16xi32>,
    %dma_start3A_29 = arith.constant 0 : i32
    %dma_start3A_30 = arith.constant 0 : i32
    %dma_start3A_31 = tpu.memref_slice %arg2[%dma_start3A_29, %dma_start3A_30] : memref<8193x1024xf32, #tpu.memory_space<hbm>> -> memref<8193x1024xf32, #tpu.memory_space<hbm>>
    tpu.enqueue_indirect_dma source(%dma_start3A_31 : memref<8193x1024xf32, #tpu.memory_space<hbm>>) target(%arg5 : memref<16x1024xf32, #tpu.memory_space<vmem>>) offsets(%arg12 : memref<16xi32, #tpu.memory_space<vmem>>) semaphore(%arg18 : memref<!tpu.dma_semaphore, #tpu.memory_space<semaphore_mem>>)
    %add3A_32 = arith.constant 1 : i32
    %add3A_33 = arith.addi %mul3A_2, %add3A_32 : i32
    %add3A_34 = arith.constant 32 : i32
    %add3A_35 = arith.addi %add3A_33, %add3A_34 : i32
    %add3A_36 = arith.constant 0 : i32
    %add3A_37 = arith.addi %add3A_35, %add3A_36 : i32
    %iota3A_38 = tpu.iota {dimensions = array<i32: 0>} : vector<16xi32>
    %add3A_39 = vector.broadcast %add3A_37 : i32 to vector<16xi32>
    %add3A_40 = arith.addi %add3A_39, %iota3A_38 : vector<16xi32>
    %swap3A_41 = arith.constant 0 : index
    %swap3A_42 = tpu.vector_load %arg13[%swap3A_41] {strides = array<i32>} : memref<16xi32, #tpu.memory_space<vmem>>, vector<16xi32>,
    %swap3A_43 = vector.shape_cast %swap3A_42 : vector<16xi32> to vector<16xi32>
    %swap3A_44 = vector.shape_cast %add3A_40 : vector<16xi32> to vector<16xi32>
    tpu.vector_store %arg13[%swap3A_41], %swap3A_44 {strides = array<i32>} : memref<16xi32, #tpu.memory_space<vmem>>, vector<16xi32>,
    %dma_start3A_45 = arith.constant 0 : i32
    %dma_start3A_46 = arith.constant 0 : i32
    %dma_start3A_47 = tpu.memref_slice %arg2[%dma_start3A_45, %dma_start3A_46] : memref<8193x1024xf32, #tpu.memory_space<hbm>> -> memref<8193x1024xf32, #tpu.memory_space<hbm>>
    tpu.enqueue_indirect_dma source(%dma_start3A_47 : memref<8193x1024xf32, #tpu.memory_space<hbm>>) target(%arg6 : memref<16x1024xf32, #tpu.memory_space<vmem>>) offsets(%arg13 : memref<16xi32, #tpu.memory_space<vmem>>) semaphore(%arg18 : memref<!tpu.dma_semaphore, #tpu.memory_space<semaphore_mem>>)
    %add3A_48 = arith.constant 1 : i32
    %add3A_49 = arith.addi %mul3A_2, %add3A_48 : i32
    %add3A_50 = arith.constant 48 : i32
    %add3A_51 = arith.addi %add3A_49, %add3A_50 : i32
    %add3A_52 = arith.constant 0 : i32
    %add3A_53 = arith.addi %add3A_51, %add3A_52 : i32
    %iota3A_54 = tpu.iota {dimensions = array<i32: 0>} : vector<16xi32>
    %add3A_55 = vector.broadcast %add3A_53 : i32 to vector<16xi32>
    %add3A_56 = arith.addi %add3A_55, %iota3A_54 : vector<16xi32>
    %swap3A_57 = arith.constant 0 : index
    %swap3A_58 = tpu.vector_load %arg14[%swap3A_57] {strides = array<i32>} : memref<16xi32, #tpu.memory_space<vmem>>, vector<16xi32>,
    %swap3A_59 = vector.shape_cast %swap3A_58 : vector<16xi32> to vector<16xi32>
    %swap3A_60 = vector.shape_cast %add3A_56 : vector<16xi32> to vector<16xi32>
    tpu.vector_store %arg14[%swap3A_57], %swap3A_60 {strides = array<i32>} : memref<16xi32, #tpu.memory_space<vmem>>, vector<16xi32>,
    %dma_start3A_61 = arith.constant 0 : i32
    %dma_start3A_62 = arith.constant 0 : i32
    %dma_start3A_63 = tpu.memref_slice %arg2[%dma_start3A_61, %dma_start3A_62] : memref<8193x1024xf32, #tpu.memory_space<hbm>> -> memref<8193x1024xf32, #tpu.memory_space<hbm>>
    tpu.enqueue_indirect_dma source(%dma_start3A_63 : memref<8193x1024xf32, #tpu.memory_space<hbm>>) target(%arg7 : memref<16x1024xf32, #tpu.memory_space<vmem>>) offsets(%arg14 : memref<16xi32, #tpu.memory_space<vmem>>) semaphore(%arg18 : memref<!tpu.dma_semaphore, #tpu.memory_space<semaphore_mem>>)
    %add3A_64 = arith.constant 1 : i32
    %add3A_65 = arith.addi %mul3A_2, %add3A_64 : i32
    %add3A_66 = arith.constant 64 : i32
    %add3A_67 = arith.addi %add3A_65, %add3A_66 : i32
    %add3A_68 = arith.constant 0 : i32
    %add3A_69 = arith.addi %add3A_67, %add3A_68 : i32
    %iota3A_70 = tpu.iota {dimensions = array<i32: 0>} : vector<16xi32>
    %add3A_71 = vector.broadcast %add3A_69 : i32 to vector<16xi32>
    %add3A_72 = arith.addi %add3A_71, %iota3A_70 : vector<16xi32>
    %swap3A_73 = arith.constant 0 : index
    %swap3A_74 = tpu.vector_load %arg15[%swap3A_73] {strides = array<i32>} : memref<16xi32, #tpu.memory_space<vmem>>, vector<16xi32>,
    %swap3A_75 = vector.shape_cast %swap3A_74 : vector<16xi32> to vector<16xi32>
    %swap3A_76 = vector.shape_cast %add3A_72 : vector<16xi32> to vector<16xi32>
    tpu.vector_store %arg15[%swap3A_73], %swap3A_76 {strides = array<i32>} : memref<16xi32, #tpu.memory_space<vmem>>, vector<16xi32>,
    %dma_start3A_77 = arith.constant 0 : i32
    %dma_start3A_78 = arith.constant 0 : i32
    %dma_start3A_79 = tpu.memref_slice %arg2[%dma_start3A_77, %dma_start3A_78] : memref<8193x1024xf32, #tpu.memory_space<hbm>> -> memref<8193x1024xf32, #tpu.memory_space<hbm>>
    tpu.enqueue_indirect_dma source(%dma_start3A_79 : memref<8193x1024xf32, #tpu.memory_space<hbm>>) target(%arg8 : memref<16x1024xf32, #tpu.memory_space<vmem>>) offsets(%arg15 : memref<16xi32, #tpu.memory_space<vmem>>) semaphore(%arg18 : memref<!tpu.dma_semaphore, #tpu.memory_space<semaphore_mem>>)
    %add3A_80 = arith.constant 1 : i32
    %add3A_81 = arith.addi %mul3A_2, %add3A_80 : i32
    %add3A_82 = arith.constant 80 : i32
    %add3A_83 = arith.addi %add3A_81, %add3A_82 : i32
    %add3A_84 = arith.constant 0 : i32
    %add3A_85 = arith.addi %add3A_83, %add3A_84 : i32
    %iota3A_86 = tpu.iota {dimensions = array<i32: 0>} : vector<16xi32>
    %add3A_87 = vector.broadcast %add3A_85 : i32 to vector<16xi32>
    %add3A_88 = arith.addi %add3A_87, %iota3A_86 : vector<16xi32>
    %swap3A_89 = arith.constant 0 : index
    %swap3A_90 = tpu.vector_load %arg16[%swap3A_89] {strides = array<i32>} : memref<16xi32, #tpu.memory_space<vmem>>, vector<16xi32>,
    %swap3A_91 = vector.shape_cast %swap3A_90 : vector<16xi32> to vector<16xi32>
    %swap3A_92 = vector.shape_cast %add3A_88 : vector<16xi32> to vector<16xi32>
    tpu.vector_store %arg16[%swap3A_89], %swap3A_92 {strides = array<i32>} : memref<16xi32, #tpu.memory_space<vmem>>, vector<16xi32>,
    %dma_start3A_93 = arith.constant 0 : i32
    %dma_start3A_94 = arith.constant 0 : i32
    %dma_start3A_95 = tpu.memref_slice %arg2[%dma_start3A_93, %dma_start3A_94] : memref<8193x1024xf32, #tpu.memory_space<hbm>> -> memref<8193x1024xf32, #tpu.memory_space<hbm>>
    tpu.enqueue_indirect_dma source(%dma_start3A_95 : memref<8193x1024xf32, #tpu.memory_space<hbm>>) target(%arg9 : memref<16x1024xf32, #tpu.memory_space<vmem>>) offsets(%arg16 : memref<16xi32, #tpu.memory_space<vmem>>) semaphore(%arg18 : memref<!tpu.dma_semaphore, #tpu.memory_space<semaphore_mem>>)
    %add3A_96 = arith.constant 1 : i32
    %add3A_97 = arith.addi %mul3A_2, %add3A_96 : i32
    %add3A_98 = arith.constant 96 : i32
    %add3A_99 = arith.addi %add3A_97, %add3A_98 : i32
    %add3A_100 = arith.constant 0 : i32
    %add3A_101 = arith.addi %add3A_99, %add3A_100 : i32
    %iota3A_102 = tpu.iota {dimensions = array<i32: 0>} : vector<16xi32>
    %add3A_103 = vector.broadcast %add3A_101 : i32 to vector<16xi32>
    %add3A_104 = arith.addi %add3A_103, %iota3A_102 : vector<16xi32>
    %swap3A_105 = arith.constant 0 : index
    %swap3A_106 = tpu.vector_load %arg17[%swap3A_105] {strides = array<i32>} : memref<16xi32, #tpu.memory_space<vmem>>, vector<16xi32>,
    %swap3A_107 = vector.shape_cast %swap3A_106 : vector<16xi32> to vector<16xi32>
    %swap3A_108 = vector.shape_cast %add3A_104 : vector<16xi32> to vector<16xi32>
    tpu.vector_store %arg17[%swap3A_105], %swap3A_108 {strides = array<i32>} : memref<16xi32, #tpu.memory_space<vmem>>, vector<16xi32>,
    %dma_start3A_109 = arith.constant 0 : i32
    %dma_start3A_110 = arith.constant 0 : i32
    %dma_start3A_111 = tpu.memref_slice %arg2[%dma_start3A_109, %dma_start3A_110] : memref<8193x1024xf32, #tpu.memory_space<hbm>> -> memref<8193x1024xf32, #tpu.memory_space<hbm>>
    tpu.enqueue_indirect_dma source(%dma_start3A_111 : memref<8193x1024xf32, #tpu.memory_space<hbm>>) target(%arg10 : memref<16x1024xf32, #tpu.memory_space<vmem>>) offsets(%arg17 : memref<16xi32, #tpu.memory_space<vmem>>) semaphore(%arg18 : memref<!tpu.dma_semaphore, #tpu.memory_space<semaphore_mem>>)
    %dma_wait3A = arith.constant 0 : i32
    %dma_wait3A_112 = arith.constant 0 : i32
    %dma_wait3A_113 = tpu.memref_slice %arg2[%dma_wait3A, %dma_wait3A_112] : memref<8193x1024xf32, #tpu.memory_space<hbm>> -> memref<8193x1024xf32, #tpu.memory_space<hbm>>
    tpu.wait_indirect_dma semaphore(%arg18 : memref<!tpu.dma_semaphore, #tpu.memory_space<semaphore_mem>>) src(%dma_wait3A_113 : memref<8193x1024xf32, #tpu.memory_space<hbm>>) dst(%arg4 : memref<16x1024xf32, #tpu.memory_space<vmem>>)
    %add3A_114 = arith.constant 0 : i32
    %add3A_115 = arith.addi %mul3A_2, %add3A_114 : i32
    %dma_start3A_116 = arith.constant 0 : i32
    %dma_start3A_117 = tpu.memref_slice %arg3[%add3A_115, %dma_start3A_116] : memref<8192x1024xf32, #tpu.memory_space<hbm>> -> memref<16x1024xf32, #tpu.memory_space<hbm>>
    %dma_start3A_118 = arith.constant 0 : i32
    %dma_start3A_119 = tpu.memref_slice %arg3[%add3A_115, %dma_start3A_118] : memref<8192x1024xf32, #tpu.memory_space<hbm>> -> memref<16x1024xf32, #tpu.memory_space<hbm>>
    tpu.enqueue_dma source(%arg4 : memref<16x1024xf32, #tpu.memory_space<vmem>>) target(%dma_start3A_119 : memref<16x1024xf32, #tpu.memory_space<hbm>>) target_semaphore(%arg19 : memref<!tpu.dma_semaphore, #tpu.memory_space<semaphore_mem>>)
    %add3A_120 = arith.constant 0 : i32
    %add3A_121 = arith.addi %mul3A_2, %add3A_120 : i32
    %dma_wait3A_122 = arith.constant 0 : i32
    %dma_wait3A_123 = tpu.memref_slice %arg3[%add3A_121, %dma_wait3A_122] : memref<8192x1024xf32, #tpu.memory_space<hbm>> -> memref<16x1024xf32, #tpu.memory_space<hbm>>
    %dma_wait3A_124 = arith.constant 0 : i32
    %dma_wait3A_125 = tpu.memref_slice %arg3[%add3A_121, %dma_wait3A_124] : memref<8192x1024xf32, #tpu.memory_space<hbm>> -> memref<16x1024xf32, #tpu.memory_space<hbm>>
    tpu.wait_dma2 semaphore(%arg19 : memref<!tpu.dma_semaphore, #tpu.memory_space<semaphore_mem>>) src(%arg4 : memref<16x1024xf32, #tpu.memory_space<vmem>>) dst(%dma_wait3A_125 : memref<16x1024xf32, #tpu.memory_space<hbm>>)
    %add3A_126 = arith.constant 1 : i32
    %add3A_127 = arith.addi %mul3A_2, %add3A_126 : i32
    %add3A_128 = arith.constant 112 : i32
    %add3A_129 = arith.addi %add3A_127, %add3A_128 : i32
    %add3A_130 = arith.constant 0 : i32
    %add3A_131 = arith.addi %add3A_129, %add3A_130 : i32
    %iota3A_132 = tpu.iota {dimensions = array<i32: 0>} : vector<16xi32>
    %add3A_133 = vector.broadcast %add3A_131 : i32 to vector<16xi32>
    %add3A_134 = arith.addi %add3A_133, %iota3A_132 : vector<16xi32>
    %swap3A_135 = arith.constant 0 : index
    %swap3A_136 = tpu.vector_load %arg11[%swap3A_135] {strides = array<i32>} : memref<16xi32, #tpu.memory_space<vmem>>, vector<16xi32>,
    %swap3A_137 = vector.shape_cast %swap3A_136 : vector<16xi32> to vector<16xi32>
    %swap3A_138 = vector.shape_cast %add3A_134 : vector<16xi32> to vector<16xi32>
    tpu.vector_store %arg11[%swap3A_135], %swap3A_138 {strides = array<i32>} : memref<16xi32, #tpu.memory_space<vmem>>, vector<16xi32>,
    %dma_start3A_139 = arith.constant 0 : i32
    %dma_start3A_140 = arith.constant 0 : i32
    %dma_start3A_141 = tpu.memref_slice %arg2[%dma_start3A_139, %dma_start3A_140] : memref<8193x1024xf32, #tpu.memory_space<hbm>> -> memref<8193x1024xf32, #tpu.memory_space<hbm>>
    tpu.enqueue_indirect_dma source(%dma_start3A_141 : memref<8193x1024xf32, #tpu.memory_space<hbm>>) target(%arg4 : memref<16x1024xf32, #tpu.memory_space<vmem>>) offsets(%arg11 : memref<16xi32, #tpu.memory_space<vmem>>) semaphore(%arg18 : memref<!tpu.dma_semaphore, #tpu.memory_space<semaphore_mem>>)
    %dma_wait3A_142 = arith.constant 0 : i32
    %dma_wait3A_143 = arith.constant 0 : i32
    %dma_wait3A_144 = tpu.memref_slice %arg2[%dma_wait3A_142, %dma_wait3A_143] : memref<8193x1024xf32, #tpu.memory_space<hbm>> -> memref<8193x1024xf32, #tpu.memory_space<hbm>>
    tpu.wait_indirect_dma semaphore(%arg18 : memref<!tpu.dma_semaphore, #tpu.memory_space<semaphore_mem>>) src(%dma_wait3A_144 : memref<8193x1024xf32, #tpu.memory_space<hbm>>) dst(%arg5 : memref<16x1024xf32, #tpu.memory_space<vmem>>)
    %add3A_145 = arith.constant 16 : i32
    %add3A_146 = arith.addi %mul3A_2, %add3A_145 : i32
    %dma_start3A_147 = arith.constant 0 : i32
    %dma_start3A_148 = tpu.memref_slice %arg3[%add3A_146, %dma_start3A_147] : memref<8192x1024xf32, #tpu.memory_space<hbm>> -> memref<16x1024xf32, #tpu.memory_space<hbm>>
    %dma_start3A_149 = arith.constant 0 : i32
    %dma_start3A_150 = tpu.memref_slice %arg3[%add3A_146, %dma_start3A_149] : memref<8192x1024xf32, #tpu.memory_space<hbm>> -> memref<16x1024xf32, #tpu.memory_space<hbm>>
    tpu.enqueue_dma source(%arg5 : memref<16x1024xf32, #tpu.memory_space<vmem>>) target(%dma_start3A_150 : memref<16x1024xf32, #tpu.memory_space<hbm>>) target_semaphore(%arg19 : memref<!tpu.dma_semaphore, #tpu.memory_space<semaphore_mem>>)
    %add3A_151 = arith.constant 16 : i32
    %add3A_152 = arith.addi %mul3A_2, %add3A_151 : i32
    %dma_wait3A_153 = arith.constant 0 : i32
    %dma_wait3A_154 = tpu.memref_slice %arg3[%add3A_152, %dma_wait3A_153] : memref<8192x1024xf32, #tpu.memory_space<hbm>> -> memref<16x1024xf32, #tpu.memory_space<hbm>>
    %dma_wait3A_155 = arith.constant 0 : i32
    %dma_wait3A_156 = tpu.memref_slice %arg3[%add3A_152, %dma_wait3A_155] : memref<8192x1024xf32, #tpu.memory_space<hbm>> -> memref<16x1024xf32, #tpu.memory_space<hbm>>
    tpu.wait_dma2 semaphore(%arg19 : memref<!tpu.dma_semaphore, #tpu.memory_space<semaphore_mem>>) src(%arg5 : memref<16x1024xf32, #tpu.memory_space<vmem>>) dst(%dma_wait3A_156 : memref<16x1024xf32, #tpu.memory_space<hbm>>)
    %add3A_157 = arith.constant 1 : i32
    %add3A_158 = arith.addi %mul3A_2, %add3A_157 : i32
    %add3A_159 = arith.constant 128 : i32
    %add3A_160 = arith.addi %add3A_158, %add3A_159 : i32
    %add3A_161 = arith.constant 0 : i32
    %add3A_162 = arith.addi %add3A_160, %add3A_161 : i32
    %iota3A_163 = tpu.iota {dimensions = array<i32: 0>} : vector<16xi32>
    %add3A_164 = vector.broadcast %add3A_162 : i32 to vector<16xi32>
    %add3A_165 = arith.addi %add3A_164, %iota3A_163 : vector<16xi32>
    %swap3A_166 = arith.constant 0 : index
    %swap3A_167 = tpu.vector_load %arg12[%swap3A_166] {strides = array<i32>} : memref<16xi32, #tpu.memory_space<vmem>>, vector<16xi32>,
    %swap3A_168 = vector.shape_cast %swap3A_167 : vector<16xi32> to vector<16xi32>
    %swap3A_169 = vector.shape_cast %add3A_165 : vector<16xi32> to vector<16xi32>
    tpu.vector_store %arg12[%swap3A_166], %swap3A_169 {strides = array<i32>} : memref<16xi32, #tpu.memory_space<vmem>>, vector<16xi32>,
    %dma_start3A_170 = arith.constant 0 : i32
    %dma_start3A_171 = arith.constant 0 : i32
    %dma_start3A_172 = tpu.memref_slice %arg2[%dma_start3A_170, %dma_start3A_171] : memref<8193x1024xf32, #tpu.memory_space<hbm>> -> memref<8193x1024xf32, #tpu.memory_space<hbm>>
    tpu.enqueue_indirect_dma source(%dma_start3A_172 : memref<8193x1024xf32, #tpu.memory_space<hbm>>) target(%arg5 : memref<16x1024xf32, #tpu.memory_space<vmem>>) offsets(%arg12 : memref<16xi32, #tpu.memory_space<vmem>>) semaphore(%arg18 : memref<!tpu.dma_semaphore, #tpu.memory_space<semaphore_mem>>)
    %dma_wait3A_173 = arith.constant 0 : i32
    %dma_wait3A_174 = arith.constant 0 : i32
    %dma_wait3A_175 = tpu.memref_slice %arg2[%dma_wait3A_173, %dma_wait3A_174] : memref<8193x1024xf32, #tpu.memory_space<hbm>> -> memref<8193x1024xf32, #tpu.memory_space<hbm>>
    tpu.wait_indirect_dma semaphore(%arg18 : memref<!tpu.dma_semaphore, #tpu.memory_space<semaphore_mem>>) src(%dma_wait3A_175 : memref<8193x1024xf32, #tpu.memory_space<hbm>>) dst(%arg6 : memref<16x1024xf32, #tpu.memory_space<vmem>>)
    %add3A_176 = arith.constant 32 : i32
    %add3A_177 = arith.addi %mul3A_2, %add3A_176 : i32
    %dma_start3A_178 = arith.constant 0 : i32
    %dma_start3A_179 = tpu.memref_slice %arg3[%add3A_177, %dma_start3A_178] : memref<8192x1024xf32, #tpu.memory_space<hbm>> -> memref<16x1024xf32, #tpu.memory_space<hbm>>
    %dma_start3A_180 = arith.constant 0 : i32
    %dma_start3A_181 = tpu.memref_slice %arg3[%add3A_177, %dma_start3A_180] : memref<8192x1024xf32, #tpu.memory_space<hbm>> -> memref<16x1024xf32, #tpu.memory_space<hbm>>
    tpu.enqueue_dma source(%arg6 : memref<16x1024xf32, #tpu.memory_space<vmem>>) target(%dma_start3A_181 : memref<16x1024xf32, #tpu.memory_space<hbm>>) target_semaphore(%arg19 : memref<!tpu.dma_semaphore, #tpu.memory_space<semaphore_mem>>)
    %add3A_182 = arith.constant 32 : i32
    %add3A_183 = arith.addi %mul3A_2, %add3A_182 : i32
    %dma_wait3A_184 = arith.constant 0 : i32
    %dma_wait3A_185 = tpu.memref_slice %arg3[%add3A_183, %dma_wait3A_184] : memref<8192x1024xf32, #tpu.memory_space<hbm>> -> memref<16x1024xf32, #tpu.memory_space<hbm>>
    %dma_wait3A_186 = arith.constant 0 : i32
    %dma_wait3A_187 = tpu.memref_slice %arg3[%add3A_183, %dma_wait3A_186] : memref<8192x1024xf32, #tpu.memory_space<hbm>> -> memref<16x1024xf32, #tpu.memory_space<hbm>>
    tpu.wait_dma2 semaphore(%arg19 : memref<!tpu.dma_semaphore, #tpu.memory_space<semaphore_mem>>) src(%arg6 : memref<16x1024xf32, #tpu.memory_space<vmem>>) dst(%dma_wait3A_187 : memref<16x1024xf32, #tpu.memory_space<hbm>>)
    %add3A_188 = arith.constant 1 : i32
    %add3A_189 = arith.addi %mul3A_2, %add3A_188 : i32
    %add3A_190 = arith.constant 144 : i32
    %add3A_191 = arith.addi %add3A_189, %add3A_190 : i32
    %add3A_192 = arith.constant 0 : i32
    %add3A_193 = arith.addi %add3A_191, %add3A_192 : i32
    %iota3A_194 = tpu.iota {dimensions = array<i32: 0>} : vector<16xi32>
    %add3A_195 = vector.broadcast %add3A_193 : i32 to vector<16xi32>
    %add3A_196 = arith.addi %add3A_195, %iota3A_194 : vector<16xi32>
    %swap3A_197 = arith.constant 0 : index
    %swap3A_198 = tpu.vector_load %arg13[%swap3A_197] {strides = array<i32>} : memref<16xi32, #tpu.memory_space<vmem>>, vector<16xi32>,
    %swap3A_199 = vector.shape_cast %swap3A_198 : vector<16xi32> to vector<16xi32>
    %swap3A_200 = vector.shape_cast %add3A_196 : vector<16xi32> to vector<16xi32>
    tpu.vector_store %arg13[%swap3A_197], %swap3A_200 {strides = array<i32>} : memref<16xi32, #tpu.memory_space<vmem>>, vector<16xi32>,
    %dma_start3A_201 = arith.constant 0 : i32
    %dma_start3A_202 = arith.constant 0 : i32
    %dma_start3A_203 = tpu.memref_slice %arg2[%dma_start3A_201, %dma_start3A_202] : memref<8193x1024xf32, #tpu.memory_space<hbm>> -> memref<8193x1024xf32, #tpu.memory_space<hbm>>
    tpu.enqueue_indirect_dma source(%dma_start3A_203 : memref<8193x1024xf32, #tpu.memory_space<hbm>>) target(%arg6 : memref<16x1024xf32, #tpu.memory_space<vmem>>) offsets(%arg13 : memref<16xi32, #tpu.memory_space<vmem>>) semaphore(%arg18 : memref<!tpu.dma_semaphore, #tpu.memory_space<semaphore_mem>>)
    %dma_wait3A_204 = arith.constant 0 : i32
    %dma_wait3A_205 = arith.constant 0 : i32
    %dma_wait3A_206 = tpu.memref_slice %arg2[%dma_wait3A_204, %dma_wait3A_205] : memref<8193x1024xf32, #tpu.memory_space<hbm>> -> memref<8193x1024xf32, #tpu.memory_space<hbm>>
    tpu.wait_indirect_dma semaphore(%arg18 : memref<!tpu.dma_semaphore, #tpu.memory_space<semaphore_mem>>) src(%dma_wait3A_206 : memref<8193x1024xf32, #tpu.memory_space<hbm>>) dst(%arg7 : memref<16x1024xf32, #tpu.memory_space<vmem>>)
    %add3A_207 = arith.constant 48 : i32
    %add3A_208 = arith.addi %mul3A_2, %add3A_207 : i32
    %dma_start3A_209 = arith.constant 0 : i32
    %dma_start3A_210 = tpu.memref_slice %arg3[%add3A_208, %dma_start3A_209] : memref<8192x1024xf32, #tpu.memory_space<hbm>> -> memref<16x1024xf32, #tpu.memory_space<hbm>>
    %dma_start3A_211 = arith.constant 0 : i32
    %dma_start3A_212 = tpu.memref_slice %arg3[%add3A_208, %dma_start3A_211] : memref<8192x1024xf32, #tpu.memory_space<hbm>> -> memref<16x1024xf32, #tpu.memory_space<hbm>>
    tpu.enqueue_dma source(%arg7 : memref<16x1024xf32, #tpu.memory_space<vmem>>) target(%dma_start3A_212 : memref<16x1024xf32, #tpu.memory_space<hbm>>) target_semaphore(%arg19 : memref<!tpu.dma_semaphore, #tpu.memory_space<semaphore_mem>>)
    %add3A_213 = arith.constant 48 : i32
    %add3A_214 = arith.addi %mul3A_2, %add3A_213 : i32
    %dma_wait3A_215 = arith.constant 0 : i32
    %dma_wait3A_216 = tpu.memref_slice %arg3[%add3A_214, %dma_wait3A_215] : memref<8192x1024xf32, #tpu.memory_space<hbm>> -> memref<16x1024xf32, #tpu.memory_space<hbm>>
    %dma_wait3A_217 = arith.constant 0 : i32
    %dma_wait3A_218 = tpu.memref_slice %arg3[%add3A_214, %dma_wait3A_217] : memref<8192x1024xf32, #tpu.memory_space<hbm>> -> memref<16x1024xf32, #tpu.memory_space<hbm>>
    tpu.wait_dma2 semaphore(%arg19 : memref<!tpu.dma_semaphore, #tpu.memory_space<semaphore_mem>>) src(%arg7 : memref<16x1024xf32, #tpu.memory_space<vmem>>) dst(%dma_wait3A_218 : memref<16x1024xf32, #tpu.memory_space<hbm>>)
    %add3A_219 = arith.constant 1 : i32
    %add3A_220 = arith.addi %mul3A_2, %add3A_219 : i32
    %add3A_221 = arith.constant 160 : i32
    %add3A_222 = arith.addi %add3A_220, %add3A_221 : i32
    %add3A_223 = arith.constant 0 : i32
    %add3A_224 = arith.addi %add3A_222, %add3A_223 : i32
    %iota3A_225 = tpu.iota {dimensions = array<i32: 0>} : vector<16xi32>
    %add3A_226 = vector.broadcast %add3A_224 : i32 to vector<16xi32>
    %add3A_227 = arith.addi %add3A_226, %iota3A_225 : vector<16xi32>
    %swap3A_228 = arith.constant 0 : index
    %swap3A_229 = tpu.vector_load %arg14[%swap3A_228] {strides = array<i32>} : memref<16xi32, #tpu.memory_space<vmem>>, vector<16xi32>,
    %swap3A_230 = vector.shape_cast %swap3A_229 : vector<16xi32> to vector<16xi32>
    %swap3A_231 = vector.shape_cast %add3A_227 : vector<16xi32> to vector<16xi32>
    tpu.vector_store %arg14[%swap3A_228], %swap3A_231 {strides = array<i32>} : memref<16xi32, #tpu.memory_space<vmem>>, vector<16xi32>,
    %dma_start3A_232 = arith.constant 0 : i32
    %dma_start3A_233 = arith.constant 0 : i32
    %dma_start3A_234 = tpu.memref_slice %arg2[%dma_start3A_232, %dma_start3A_233] : memref<8193x1024xf32, #tpu.memory_space<hbm>> -> memref<8193x1024xf32, #tpu.memory_space<hbm>>
    tpu.enqueue_indirect_dma source(%dma_start3A_234 : memref<8193x1024xf32, #tpu.memory_space<hbm>>) target(%arg7 : memref<16x1024xf32, #tpu.memory_space<vmem>>) offsets(%arg14 : memref<16xi32, #tpu.memory_space<vmem>>) semaphore(%arg18 : memref<!tpu.dma_semaphore, #tpu.memory_space<semaphore_mem>>)
    %dma_wait3A_235 = arith.constant 0 : i32
    %dma_wait3A_236 = arith.constant 0 : i32
    %dma_wait3A_237 = tpu.memref_slice %arg2[%dma_wait3A_235, %dma_wait3A_236] : memref<8193x1024xf32, #tpu.memory_space<hbm>> -> memref<8193x1024xf32, #tpu.memory_space<hbm>>
    tpu.wait_indirect_dma semaphore(%arg18 : memref<!tpu.dma_semaphore, #tpu.memory_space<semaphore_mem>>) src(%dma_wait3A_237 : memref<8193x1024xf32, #tpu.memory_space<hbm>>) dst(%arg8 : memref<16x1024xf32, #tpu.memory_space<vmem>>)
    %add3A_238 = arith.constant 64 : i32
    %add3A_239 = arith.addi %mul3A_2, %add3A_238 : i32
    %dma_start3A_240 = arith.constant 0 : i32
    %dma_start3A_241 = tpu.memref_slice %arg3[%add3A_239, %dma_start3A_240] : memref<8192x1024xf32, #tpu.memory_space<hbm>> -> memref<16x1024xf32, #tpu.memory_space<hbm>>
    %dma_start3A_242 = arith.constant 0 : i32
    %dma_start3A_243 = tpu.memref_slice %arg3[%add3A_239, %dma_start3A_242] : memref<8192x1024xf32, #tpu.memory_space<hbm>> -> memref<16x1024xf32, #tpu.memory_space<hbm>>
    tpu.enqueue_dma source(%arg8 : memref<16x1024xf32, #tpu.memory_space<vmem>>) target(%dma_start3A_243 : memref<16x1024xf32, #tpu.memory_space<hbm>>) target_semaphore(%arg19 : memref<!tpu.dma_semaphore, #tpu.memory_space<semaphore_mem>>)
    %add3A_244 = arith.constant 64 : i32
    %add3A_245 = arith.addi %mul3A_2, %add3A_244 : i32
    %dma_wait3A_246 = arith.constant 0 : i32
    %dma_wait3A_247 = tpu.memref_slice %arg3[%add3A_245, %dma_wait3A_246] : memref<8192x1024xf32, #tpu.memory_space<hbm>> -> memref<16x1024xf32, #tpu.memory_space<hbm>>
    %dma_wait3A_248 = arith.constant 0 : i32
    %dma_wait3A_249 = tpu.memref_slice %arg3[%add3A_245, %dma_wait3A_248] : memref<8192x1024xf32, #tpu.memory_space<hbm>> -> memref<16x1024xf32, #tpu.memory_space<hbm>>
    tpu.wait_dma2 semaphore(%arg19 : memref<!tpu.dma_semaphore, #tpu.memory_space<semaphore_mem>>) src(%arg8 : memref<16x1024xf32, #tpu.memory_space<vmem>>) dst(%dma_wait3A_249 : memref<16x1024xf32, #tpu.memory_space<hbm>>)
    %add3A_250 = arith.constant 1 : i32
    %add3A_251 = arith.addi %mul3A_2, %add3A_250 : i32
    %add3A_252 = arith.constant 176 : i32
    %add3A_253 = arith.addi %add3A_251, %add3A_252 : i32
    %add3A_254 = arith.constant 0 : i32
    %add3A_255 = arith.addi %add3A_253, %add3A_254 : i32
    %iota3A_256 = tpu.iota {dimensions = array<i32: 0>} : vector<16xi32>
    %add3A_257 = vector.broadcast %add3A_255 : i32 to vector<16xi32>
    %add3A_258 = arith.addi %add3A_257, %iota3A_256 : vector<16xi32>
    %swap3A_259 = arith.constant 0 : index
    %swap3A_260 = tpu.vector_load %arg15[%swap3A_259] {strides = array<i32>} : memref<16xi32, #tpu.memory_space<vmem>>, vector<16xi32>,
    %swap3A_261 = vector.shape_cast %swap3A_260 : vector<16xi32> to vector<16xi32>
    %swap3A_262 = vector.shape_cast %add3A_258 : vector<16xi32> to vector<16xi32>
    tpu.vector_store %arg15[%swap3A_259], %swap3A_262 {strides = array<i32>} : memref<16xi32, #tpu.memory_space<vmem>>, vector<16xi32>,
    %dma_start3A_263 = arith.constant 0 : i32
    %dma_start3A_264 = arith.constant 0 : i32
    %dma_start3A_265 = tpu.memref_slice %arg2[%dma_start3A_263, %dma_start3A_264] : memref<8193x1024xf32, #tpu.memory_space<hbm>> -> memref<8193x1024xf32, #tpu.memory_space<hbm>>
    tpu.enqueue_indirect_dma source(%dma_start3A_265 : memref<8193x1024xf32, #tpu.memory_space<hbm>>) target(%arg8 : memref<16x1024xf32, #tpu.memory_space<vmem>>) offsets(%arg15 : memref<16xi32, #tpu.memory_space<vmem>>) semaphore(%arg18 : memref<!tpu.dma_semaphore, #tpu.memory_space<semaphore_mem>>)
    %dma_wait3A_266 = arith.constant 0 : i32
    %dma_wait3A_267 = arith.constant 0 : i32
    %dma_wait3A_268 = tpu.memref_slice %arg2[%dma_wait3A_266, %dma_wait3A_267] : memref<8193x1024xf32, #tpu.memory_space<hbm>> -> memref<8193x1024xf32, #tpu.memory_space<hbm>>
    tpu.wait_indirect_dma semaphore(%arg18 : memref<!tpu.dma_semaphore, #tpu.memory_space<semaphore_mem>>) src(%dma_wait3A_268 : memref<8193x1024xf32, #tpu.memory_space<hbm>>) dst(%arg9 : memref<16x1024xf32, #tpu.memory_space<vmem>>)
    %add3A_269 = arith.constant 80 : i32
    %add3A_270 = arith.addi %mul3A_2, %add3A_269 : i32
    %dma_start3A_271 = arith.constant 0 : i32
    %dma_start3A_272 = tpu.memref_slice %arg3[%add3A_270, %dma_start3A_271] : memref<8192x1024xf32, #tpu.memory_space<hbm>> -> memref<16x1024xf32, #tpu.memory_space<hbm>>
    %dma_start3A_273 = arith.constant 0 : i32
    %dma_start3A_274 = tpu.memref_slice %arg3[%add3A_270, %dma_start3A_273] : memref<8192x1024xf32, #tpu.memory_space<hbm>> -> memref<16x1024xf32, #tpu.memory_space<hbm>>
    tpu.enqueue_dma source(%arg9 : memref<16x1024xf32, #tpu.memory_space<vmem>>) target(%dma_start3A_274 : memref<16x1024xf32, #tpu.memory_space<hbm>>) target_semaphore(%arg19 : memref<!tpu.dma_semaphore, #tpu.memory_space<semaphore_mem>>)
    %add3A_275 = arith.constant 80 : i32
    %add3A_276 = arith.addi %mul3A_2, %add3A_275 : i32
    %dma_wait3A_277 = arith.constant 0 : i32
    %dma_wait3A_278 = tpu.memref_slice %arg3[%add3A_276, %dma_wait3A_277] : memref<8192x1024xf32, #tpu.memory_space<hbm>> -> memref<16x1024xf32, #tpu.memory_space<hbm>>
    %dma_wait3A_279 = arith.constant 0 : i32
    %dma_wait3A_280 = tpu.memref_slice %arg3[%add3A_276, %dma_wait3A_279] : memref<8192x1024xf32, #tpu.memory_space<hbm>> -> memref<16x1024xf32, #tpu.memory_space<hbm>>
    tpu.wait_dma2 semaphore(%arg19 : memref<!tpu.dma_semaphore, #tpu.memory_space<semaphore_mem>>) src(%arg9 : memref<16x1024xf32, #tpu.memory_space<vmem>>) dst(%dma_wait3A_280 : memref<16x1024xf32, #tpu.memory_space<hbm>>)
    %add3A_281 = arith.constant 1 : i32
    %add3A_282 = arith.addi %mul3A_2, %add3A_281 : i32
    %add3A_283 = arith.constant 192 : i32
    %add3A_284 = arith.addi %add3A_282, %add3A_283 : i32
    %add3A_285 = arith.constant 0 : i32
    %add3A_286 = arith.addi %add3A_284, %add3A_285 : i32
    %iota3A_287 = tpu.iota {dimensions = array<i32: 0>} : vector<16xi32>
    %add3A_288 = vector.broadcast %add3A_286 : i32 to vector<16xi32>
    %add3A_289 = arith.addi %add3A_288, %iota3A_287 : vector<16xi32>
    %swap3A_290 = arith.constant 0 : index
    %swap3A_291 = tpu.vector_load %arg16[%swap3A_290] {strides = array<i32>} : memref<16xi32, #tpu.memory_space<vmem>>, vector<16xi32>,
    %swap3A_292 = vector.shape_cast %swap3A_291 : vector<16xi32> to vector<16xi32>
    %swap3A_293 = vector.shape_cast %add3A_289 : vector<16xi32> to vector<16xi32>
    tpu.vector_store %arg16[%swap3A_290], %swap3A_293 {strides = array<i32>} : memref<16xi32, #tpu.memory_space<vmem>>, vector<16xi32>,
    %dma_start3A_294 = arith.constant 0 : i32
    %dma_start3A_295 = arith.constant 0 : i32
    %dma_start3A_296 = tpu.memref_slice %arg2[%dma_start3A_294, %dma_start3A_295] : memref<8193x1024xf32, #tpu.memory_space<hbm>> -> memref<8193x1024xf32, #tpu.memory_space<hbm>>
    tpu.enqueue_indirect_dma source(%dma_start3A_296 : memref<8193x1024xf32, #tpu.memory_space<hbm>>) target(%arg9 : memref<16x1024xf32, #tpu.memory_space<vmem>>) offsets(%arg16 : memref<16xi32, #tpu.memory_space<vmem>>) semaphore(%arg18 : memref<!tpu.dma_semaphore, #tpu.memory_space<semaphore_mem>>)
    %dma_wait3A_297 = arith.constant 0 : i32
    %dma_wait3A_298 = arith.constant 0 : i32
    %dma_wait3A_299 = tpu.memref_slice %arg2[%dma_wait3A_297, %dma_wait3A_298] : memref<8193x1024xf32, #tpu.memory_space<hbm>> -> memref<8193x1024xf32, #tpu.memory_space<hbm>>
    tpu.wait_indirect_dma semaphore(%arg18 : memref<!tpu.dma_semaphore, #tpu.memory_space<semaphore_mem>>) src(%dma_wait3A_299 : memref<8193x1024xf32, #tpu.memory_space<hbm>>) dst(%arg10 : memref<16x1024xf32, #tpu.memory_space<vmem>>)
    %add3A_300 = arith.constant 96 : i32
    %add3A_301 = arith.addi %mul3A_2, %add3A_300 : i32
    %dma_start3A_302 = arith.constant 0 : i32
    %dma_start3A_303 = tpu.memref_slice %arg3[%add3A_301, %dma_start3A_302] : memref<8192x1024xf32, #tpu.memory_space<hbm>> -> memref<16x1024xf32, #tpu.memory_space<hbm>>
    %dma_start3A_304 = arith.constant 0 : i32
    %dma_start3A_305 = tpu.memref_slice %arg3[%add3A_301, %dma_start3A_304] : memref<8192x1024xf32, #tpu.memory_space<hbm>> -> memref<16x1024xf32, #tpu.memory_space<hbm>>
    tpu.enqueue_dma source(%arg10 : memref<16x1024xf32, #tpu.memory_space<vmem>>) target(%dma_start3A_305 : memref<16x1024xf32, #tpu.memory_space<hbm>>) target_semaphore(%arg19 : memref<!tpu.dma_semaphore, #tpu.memory_space<semaphore_mem>>)
    %add3A_306 = arith.constant 96 : i32
    %add3A_307 = arith.addi %mul3A_2, %add3A_306 : i32
    %dma_wait3A_308 = arith.constant 0 : i32
    %dma_wait3A_309 = tpu.memref_slice %arg3[%add3A_307, %dma_wait3A_308] : memref<8192x1024xf32, #tpu.memory_space<hbm>> -> memref<16x1024xf32, #tpu.memory_space<hbm>>
    %dma_wait3A_310 = arith.constant 0 : i32
    %dma_wait3A_311 = tpu.memref_slice %arg3[%add3A_307, %dma_wait3A_310] : memref<8192x1024xf32, #tpu.memory_space<hbm>> -> memref<16x1024xf32, #tpu.memory_space<hbm>>
    tpu.wait_dma2 semaphore(%arg19 : memref<!tpu.dma_semaphore, #tpu.memory_space<semaphore_mem>>) src(%arg10 : memref<16x1024xf32, #tpu.memory_space<vmem>>) dst(%dma_wait3A_311 : memref<16x1024xf32, #tpu.memory_space<hbm>>)
    %add3A_312 = arith.constant 1 : i32
    %add3A_313 = arith.addi %mul3A_2, %add3A_312 : i32
    %add3A_314 = arith.constant 208 : i32
    %add3A_315 = arith.addi %add3A_313, %add3A_314 : i32
    %add3A_316 = arith.constant 0 : i32
    %add3A_317 = arith.addi %add3A_315, %add3A_316 : i32
    %iota3A_318 = tpu.iota {dimensions = array<i32: 0>} : vector<16xi32>
    %add3A_319 = vector.broadcast %add3A_317 : i32 to vector<16xi32>
    %add3A_320 = arith.addi %add3A_319, %iota3A_318 : vector<16xi32>
    %swap3A_321 = arith.constant 0 : index
    %swap3A_322 = tpu.vector_load %arg17[%swap3A_321] {strides = array<i32>} : memref<16xi32, #tpu.memory_space<vmem>>, vector<16xi32>,
    %swap3A_323 = vector.shape_cast %swap3A_322 : vector<16xi32> to vector<16xi32>
    %swap3A_324 = vector.shape_cast %add3A_320 : vector<16xi32> to vector<16xi32>
    tpu.vector_store %arg17[%swap3A_321], %swap3A_324 {strides = array<i32>} : memref<16xi32, #tpu.memory_space<vmem>>, vector<16xi32>,
    %dma_start3A_325 = arith.constant 0 : i32
    %dma_start3A_326 = arith.constant 0 : i32
    %dma_start3A_327 = tpu.memref_slice %arg2[%dma_start3A_325, %dma_start3A_326] : memref<8193x1024xf32, #tpu.memory_space<hbm>> -> memref<8193x1024xf32, #tpu.memory_space<hbm>>
    tpu.enqueue_indirect_dma source(%dma_start3A_327 : memref<8193x1024xf32, #tpu.memory_space<hbm>>) target(%arg10 : memref<16x1024xf32, #tpu.memory_space<vmem>>) offsets(%arg17 : memref<16xi32, #tpu.memory_space<vmem>>) semaphore(%arg18 : memref<!tpu.dma_semaphore, #tpu.memory_space<semaphore_mem>>)
    %dma_wait3A_328 = arith.constant 0 : i32
    %dma_wait3A_329 = arith.constant 0 : i32
    %dma_wait3A_330 = tpu.memref_slice %arg2[%dma_wait3A_328, %dma_wait3A_329] : memref<8193x1024xf32, #tpu.memory_space<hbm>> -> memref<8193x1024xf32, #tpu.memory_space<hbm>>
    tpu.wait_indirect_dma semaphore(%arg18 : memref<!tpu.dma_semaphore, #tpu.memory_space<semaphore_mem>>) src(%dma_wait3A_330 : memref<8193x1024xf32, #tpu.memory_space<hbm>>) dst(%arg4 : memref<16x1024xf32, #tpu.memory_space<vmem>>)
    %add3A_331 = arith.constant 112 : i32
    %add3A_332 = arith.addi %mul3A_2, %add3A_331 : i32
    %dma_start3A_333 = arith.constant 0 : i32
    %dma_start3A_334 = tpu.memref_slice %arg3[%add3A_332, %dma_start3A_333] : memref<8192x1024xf32, #tpu.memory_space<hbm>> -> memref<16x1024xf32, #tpu.memory_space<hbm>>
    %dma_start3A_335 = arith.constant 0 : i32
    %dma_start3A_336 = tpu.memref_slice %arg3[%add3A_332, %dma_start3A_335] : memref<8192x1024xf32, #tpu.memory_space<hbm>> -> memref<16x1024xf32, #tpu.memory_space<hbm>>
    tpu.enqueue_dma source(%arg4 : memref<16x1024xf32, #tpu.memory_space<vmem>>) target(%dma_start3A_336 : memref<16x1024xf32, #tpu.memory_space<hbm>>) target_semaphore(%arg19 : memref<!tpu.dma_semaphore, #tpu.memory_space<semaphore_mem>>)
    %add3A_337 = arith.constant 112 : i32
    %add3A_338 = arith.addi %mul3A_2, %add3A_337 : i32
    %dma_wait3A_339 = arith.constant 0 : i32
    %dma_wait3A_340 = tpu.memref_slice %arg3[%add3A_338, %dma_wait3A_339] : memref<8192x1024xf32, #tpu.memory_space<hbm>> -> memref<16x1024xf32, #tpu.memory_space<hbm>>
    %dma_wait3A_341 = arith.constant 0 : i32
    %dma_wait3A_342 = tpu.memref_slice %arg3[%add3A_338, %dma_wait3A_341] : memref<8192x1024xf32, #tpu.memory_space<hbm>> -> memref<16x1024xf32, #tpu.memory_space<hbm>>
    tpu.wait_dma2 semaphore(%arg19 : memref<!tpu.dma_semaphore, #tpu.memory_space<semaphore_mem>>) src(%arg4 : memref<16x1024xf32, #tpu.memory_space<vmem>>) dst(%dma_wait3A_342 : memref<16x1024xf32, #tpu.memory_space<hbm>>)
    %add3A_343 = arith.constant 1 : i32
    %add3A_344 = arith.addi %mul3A_2, %add3A_343 : i32
    %add3A_345 = arith.constant 224 : i32
    %add3A_346 = arith.addi %add3A_344, %add3A_345 : i32
    %add3A_347 = arith.constant 0 : i32
    %add3A_348 = arith.addi %add3A_346, %add3A_347 : i32
    %iota3A_349 = tpu.iota {dimensions = array<i32: 0>} : vector<16xi32>
    %add3A_350 = vector.broadcast %add3A_348 : i32 to vector<16xi32>
    %add3A_351 = arith.addi %add3A_350, %iota3A_349 : vector<16xi32>
    %swap3A_352 = arith.constant 0 : index
    %swap3A_353 = tpu.vector_load %arg11[%swap3A_352] {strides = array<i32>} : memref<16xi32, #tpu.memory_space<vmem>>, vector<16xi32>,
    %swap3A_354 = vector.shape_cast %swap3A_353 : vector<16xi32> to vector<16xi32>
    %swap3A_355 = vector.shape_cast %add3A_351 : vector<16xi32> to vector<16xi32>
    tpu.vector_store %arg11[%swap3A_352], %swap3A_355 {strides = array<i32>} : memref<16xi32, #tpu.memory_space<vmem>>, vector<16xi32>,
    %dma_start3A_356 = arith.constant 0 : i32
    %dma_start3A_357 = arith.constant 0 : i32
    %dma_start3A_358 = tpu.memref_slice %arg2[%dma_start3A_356, %dma_start3A_357] : memref<8193x1024xf32, #tpu.memory_space<hbm>> -> memref<8193x1024xf32, #tpu.memory_space<hbm>>
    tpu.enqueue_indirect_dma source(%dma_start3A_358 : memref<8193x1024xf32, #tpu.memory_space<hbm>>) target(%arg4 : memref<16x1024xf32, #tpu.memory_space<vmem>>) offsets(%arg11 : memref<16xi32, #tpu.memory_space<vmem>>) semaphore(%arg18 : memref<!tpu.dma_semaphore, #tpu.memory_space<semaphore_mem>>)
    %dma_wait3A_359 = arith.constant 0 : i32
    %dma_wait3A_360 = arith.constant 0 : i32
    %dma_wait3A_361 = tpu.memref_slice %arg2[%dma_wait3A_359, %dma_wait3A_360] : memref<8193x1024xf32, #tpu.memory_space<hbm>> -> memref<8193x1024xf32, #tpu.memory_space<hbm>>
    tpu.wait_indirect_dma semaphore(%arg18 : memref<!tpu.dma_semaphore, #tpu.memory_space<semaphore_mem>>) src(%dma_wait3A_361 : memref<8193x1024xf32, #tpu.memory_space<hbm>>) dst(%arg5 : memref<16x1024xf32, #tpu.memory_space<vmem>>)
    %add3A_362 = arith.constant 128 : i32
    %add3A_363 = arith.addi %mul3A_2, %add3A_362 : i32
    %dma_start3A_364 = arith.constant 0 : i32
    %dma_start3A_365 = tpu.memref_slice %arg3[%add3A_363, %dma_start3A_364] : memref<8192x1024xf32, #tpu.memory_space<hbm>> -> memref<16x1024xf32, #tpu.memory_space<hbm>>
    %dma_start3A_366 = arith.constant 0 : i32
    %dma_start3A_367 = tpu.memref_slice %arg3[%add3A_363, %dma_start3A_366] : memref<8192x1024xf32, #tpu.memory_space<hbm>> -> memref<16x1024xf32, #tpu.memory_space<hbm>>
    tpu.enqueue_dma source(%arg5 : memref<16x1024xf32, #tpu.memory_space<vmem>>) target(%dma_start3A_367 : memref<16x1024xf32, #tpu.memory_space<hbm>>) target_semaphore(%arg19 : memref<!tpu.dma_semaphore, #tpu.memory_space<semaphore_mem>>)
    %add3A_368 = arith.constant 128 : i32
    %add3A_369 = arith.addi %mul3A_2, %add3A_368 : i32
    %dma_wait3A_370 = arith.constant 0 : i32
    %dma_wait3A_371 = tpu.memref_slice %arg3[%add3A_369, %dma_wait3A_370] : memref<8192x1024xf32, #tpu.memory_space<hbm>> -> memref<16x1024xf32, #tpu.memory_space<hbm>>
    %dma_wait3A_372 = arith.constant 0 : i32
    %dma_wait3A_373 = tpu.memref_slice %arg3[%add3A_369, %dma_wait3A_372] : memref<8192x1024xf32, #tpu.memory_space<hbm>> -> memref<16x1024xf32, #tpu.memory_space<hbm>>
    tpu.wait_dma2 semaphore(%arg19 : memref<!tpu.dma_semaphore, #tpu.memory_space<semaphore_mem>>) src(%arg5 : memref<16x1024xf32, #tpu.memory_space<vmem>>) dst(%dma_wait3A_373 : memref<16x1024xf32, #tpu.memory_space<hbm>>)
    %add3A_374 = arith.constant 1 : i32
    %add3A_375 = arith.addi %mul3A_2, %add3A_374 : i32
    %add3A_376 = arith.constant 240 : i32
    %add3A_377 = arith.addi %add3A_375, %add3A_376 : i32
    %add3A_378 = arith.constant 0 : i32
    %add3A_379 = arith.addi %add3A_377, %add3A_378 : i32
    %iota3A_380 = tpu.iota {dimensions = array<i32: 0>} : vector<16xi32>
    %add3A_381 = vector.broadcast %add3A_379 : i32 to vector<16xi32>
    %add3A_382 = arith.addi %add3A_381, %iota3A_380 : vector<16xi32>
    %swap3A_383 = arith.constant 0 : index
    %swap3A_384 = tpu.vector_load %arg12[%swap3A_383] {strides = array<i32>} : memref<16xi32, #tpu.memory_space<vmem>>, vector<16xi32>,
    %swap3A_385 = vector.shape_cast %swap3A_384 : vector<16xi32> to vector<16xi32>
    %swap3A_386 = vector.shape_cast %add3A_382 : vector<16xi32> to vector<16xi32>
    tpu.vector_store %arg12[%swap3A_383], %swap3A_386 {strides = array<i32>} : memref<16xi32, #tpu.memory_space<vmem>>, vector<16xi32>,
    %dma_start3A_387 = arith.constant 0 : i32
    %dma_start3A_388 = arith.constant 0 : i32
    %dma_start3A_389 = tpu.memref_slice %arg2[%dma_start3A_387, %dma_start3A_388] : memref<8193x1024xf32, #tpu.memory_space<hbm>> -> memref<8193x1024xf32, #tpu.memory_space<hbm>>
    tpu.enqueue_indirect_dma source(%dma_start3A_389 : memref<8193x1024xf32, #tpu.memory_space<hbm>>) target(%arg5 : memref<16x1024xf32, #tpu.memory_space<vmem>>) offsets(%arg12 : memref<16xi32, #tpu.memory_space<vmem>>) semaphore(%arg18 : memref<!tpu.dma_semaphore, #tpu.memory_space<semaphore_mem>>)
    %dma_wait3A_390 = arith.constant 0 : i32
    %dma_wait3A_391 = arith.constant 0 : i32
    %dma_wait3A_392 = tpu.memref_slice %arg2[%dma_wait3A_390, %dma_wait3A_391] : memref<8193x1024xf32, #tpu.memory_space<hbm>> -> memref<8193x1024xf32, #tpu.memory_space<hbm>>
    tpu.wait_indirect_dma semaphore(%arg18 : memref<!tpu.dma_semaphore, #tpu.memory_space<semaphore_mem>>) src(%dma_wait3A_392 : memref<8193x1024xf32, #tpu.memory_space<hbm>>) dst(%arg6 : memref<16x1024xf32, #tpu.memory_space<vmem>>)
    %add3A_393 = arith.constant 144 : i32
    %add3A_394 = arith.addi %mul3A_2, %add3A_393 : i32
    %dma_start3A_395 = arith.constant 0 : i32
    %dma_start3A_396 = tpu.memref_slice %arg3[%add3A_394, %dma_start3A_395] : memref<8192x1024xf32, #tpu.memory_space<hbm>> -> memref<16x1024xf32, #tpu.memory_space<hbm>>
    %dma_start3A_397 = arith.constant 0 : i32
    %dma_start3A_398 = tpu.memref_slice %arg3[%add3A_394, %dma_start3A_397] : memref<8192x1024xf32, #tpu.memory_space<hbm>> -> memref<16x1024xf32, #tpu.memory_space<hbm>>
    tpu.enqueue_dma source(%arg6 : memref<16x1024xf32, #tpu.memory_space<vmem>>) target(%dma_start3A_398 : memref<16x1024xf32, #tpu.memory_space<hbm>>) target_semaphore(%arg19 : memref<!tpu.dma_semaphore, #tpu.memory_space<semaphore_mem>>)
    %dma_wait3A_399 = arith.constant 0 : i32
    %dma_wait3A_400 = arith.constant 0 : i32
    %dma_wait3A_401 = tpu.memref_slice %arg2[%dma_wait3A_399, %dma_wait3A_400] : memref<8193x1024xf32, #tpu.memory_space<hbm>> -> memref<8193x1024xf32, #tpu.memory_space<hbm>>
    tpu.wait_indirect_dma semaphore(%arg18 : memref<!tpu.dma_semaphore, #tpu.memory_space<semaphore_mem>>) src(%dma_wait3A_401 : memref<8193x1024xf32, #tpu.memory_space<hbm>>) dst(%arg7 : memref<16x1024xf32, #tpu.memory_space<vmem>>)
    %add3A_402 = arith.constant 160 : i32
    %add3A_403 = arith.addi %mul3A_2, %add3A_402 : i32
    %dma_start3A_404 = arith.constant 0 : i32
    %dma_start3A_405 = tpu.memref_slice %arg3[%add3A_403, %dma_start3A_404] : memref<8192x1024xf32, #tpu.memory_space<hbm>> -> memref<16x1024xf32, #tpu.memory_space<hbm>>
    %dma_start3A_406 = arith.constant 0 : i32
    %dma_start3A_407 = tpu.memref_slice %arg3[%add3A_403, %dma_start3A_406] : memref<8192x1024xf32, #tpu.memory_space<hbm>> -> memref<16x1024xf32, #tpu.memory_space<hbm>>
    tpu.enqueue_dma source(%arg7 : memref<16x1024xf32, #tpu.memory_space<vmem>>) target(%dma_start3A_407 : memref<16x1024xf32, #tpu.memory_space<hbm>>) target_semaphore(%arg19 : memref<!tpu.dma_semaphore, #tpu.memory_space<semaphore_mem>>)
    %dma_wait3A_408 = arith.constant 0 : i32
    %dma_wait3A_409 = arith.constant 0 : i32
    %dma_wait3A_410 = tpu.memref_slice %arg2[%dma_wait3A_408, %dma_wait3A_409] : memref<8193x1024xf32, #tpu.memory_space<hbm>> -> memref<8193x1024xf32, #tpu.memory_space<hbm>>
    tpu.wait_indirect_dma semaphore(%arg18 : memref<!tpu.dma_semaphore, #tpu.memory_space<semaphore_mem>>) src(%dma_wait3A_410 : memref<8193x1024xf32, #tpu.memory_space<hbm>>) dst(%arg8 : memref<16x1024xf32, #tpu.memory_space<vmem>>)
    %add3A_411 = arith.constant 176 : i32
    %add3A_412 = arith.addi %mul3A_2, %add3A_411 : i32
    %dma_start3A_413 = arith.constant 0 : i32
    %dma_start3A_414 = tpu.memref_slice %arg3[%add3A_412, %dma_start3A_413] : memref<8192x1024xf32, #tpu.memory_space<hbm>> -> memref<16x1024xf32, #tpu.memory_space<hbm>>
    %dma_start3A_415 = arith.constant 0 : i32
    %dma_start3A_416 = tpu.memref_slice %arg3[%add3A_412, %dma_start3A_415] : memref<8192x1024xf32, #tpu.memory_space<hbm>> -> memref<16x1024xf32, #tpu.memory_space<hbm>>
    tpu.enqueue_dma source(%arg8 : memref<16x1024xf32, #tpu.memory_space<vmem>>) target(%dma_start3A_416 : memref<16x1024xf32, #tpu.memory_space<hbm>>) target_semaphore(%arg19 : memref<!tpu.dma_semaphore, #tpu.memory_space<semaphore_mem>>)
    %dma_wait3A_417 = arith.constant 0 : i32
    %dma_wait3A_418 = arith.constant 0 : i32
    %dma_wait3A_419 = tpu.memref_slice %arg2[%dma_wait3A_417, %dma_wait3A_418] : memref<8193x1024xf32, #tpu.memory_space<hbm>> -> memref<8193x1024xf32, #tpu.memory_space<hbm>>
    tpu.wait_indirect_dma semaphore(%arg18 : memref<!tpu.dma_semaphore, #tpu.memory_space<semaphore_mem>>) src(%dma_wait3A_419 : memref<8193x1024xf32, #tpu.memory_space<hbm>>) dst(%arg9 : memref<16x1024xf32, #tpu.memory_space<vmem>>)
    %add3A_420 = arith.constant 192 : i32
    %add3A_421 = arith.addi %mul3A_2, %add3A_420 : i32
    %dma_start3A_422 = arith.constant 0 : i32
    %dma_start3A_423 = tpu.memref_slice %arg3[%add3A_421, %dma_start3A_422] : memref<8192x1024xf32, #tpu.memory_space<hbm>> -> memref<16x1024xf32, #tpu.memory_space<hbm>>
    %dma_start3A_424 = arith.constant 0 : i32
    %dma_start3A_425 = tpu.memref_slice %arg3[%add3A_421, %dma_start3A_424] : memref<8192x1024xf32, #tpu.memory_space<hbm>> -> memref<16x1024xf32, #tpu.memory_space<hbm>>
    tpu.enqueue_dma source(%arg9 : memref<16x1024xf32, #tpu.memory_space<vmem>>) target(%dma_start3A_425 : memref<16x1024xf32, #tpu.memory_space<hbm>>) target_semaphore(%arg19 : memref<!tpu.dma_semaphore, #tpu.memory_space<semaphore_mem>>)
    %dma_wait3A_426 = arith.constant 0 : i32
    %dma_wait3A_427 = arith.constant 0 : i32
    %dma_wait3A_428 = tpu.memref_slice %arg2[%dma_wait3A_426, %dma_wait3A_427] : memref<8193x1024xf32, #tpu.memory_space<hbm>> -> memref<8193x1024xf32, #tpu.memory_space<hbm>>
    tpu.wait_indirect_dma semaphore(%arg18 : memref<!tpu.dma_semaphore, #tpu.memory_space<semaphore_mem>>) src(%dma_wait3A_428 : memref<8193x1024xf32, #tpu.memory_space<hbm>>) dst(%arg10 : memref<16x1024xf32, #tpu.memory_space<vmem>>)
    %add3A_429 = arith.constant 208 : i32
    %add3A_430 = arith.addi %mul3A_2, %add3A_429 : i32
    %dma_start3A_431 = arith.constant 0 : i32
    %dma_start3A_432 = tpu.memref_slice %arg3[%add3A_430, %dma_start3A_431] : memref<8192x1024xf32, #tpu.memory_space<hbm>> -> memref<16x1024xf32, #tpu.memory_space<hbm>>
    %dma_start3A_433 = arith.constant 0 : i32
    %dma_start3A_434 = tpu.memref_slice %arg3[%add3A_430, %dma_start3A_433] : memref<8192x1024xf32, #tpu.memory_space<hbm>> -> memref<16x1024xf32, #tpu.memory_space<hbm>>
    tpu.enqueue_dma source(%arg10 : memref<16x1024xf32, #tpu.memory_space<vmem>>) target(%dma_start3A_434 : memref<16x1024xf32, #tpu.memory_space<hbm>>) target_semaphore(%arg19 : memref<!tpu.dma_semaphore, #tpu.memory_space<semaphore_mem>>)
    %dma_wait3A_435 = arith.constant 0 : i32
    %dma_wait3A_436 = arith.constant 0 : i32
    %dma_wait3A_437 = tpu.memref_slice %arg2[%dma_wait3A_435, %dma_wait3A_436] : memref<8193x1024xf32, #tpu.memory_space<hbm>> -> memref<8193x1024xf32, #tpu.memory_space<hbm>>
    tpu.wait_indirect_dma semaphore(%arg18 : memref<!tpu.dma_semaphore, #tpu.memory_space<semaphore_mem>>) src(%dma_wait3A_437 : memref<8193x1024xf32, #tpu.memory_space<hbm>>) dst(%arg4 : memref<16x1024xf32, #tpu.memory_space<vmem>>)
    %add3A_438 = arith.constant 224 : i32
    %add3A_439 = arith.addi %mul3A_2, %add3A_438 : i32
    %dma_start3A_440 = arith.constant 0 : i32
    %dma_start3A_441 = tpu.memref_slice %arg3[%add3A_439, %dma_start3A_440] : memref<8192x1024xf32, #tpu.memory_space<hbm>> -> memref<16x1024xf32, #tpu.memory_space<hbm>>
    %dma_start3A_442 = arith.constant 0 : i32
    %dma_start3A_443 = tpu.memref_slice %arg3[%add3A_439, %dma_start3A_442] : memref<8192x1024xf32, #tpu.memory_space<hbm>> -> memref<16x1024xf32, #tpu.memory_space<hbm>>
    tpu.enqueue_dma source(%arg4 : memref<16x1024xf32, #tpu.memory_space<vmem>>) target(%dma_start3A_443 : memref<16x1024xf32, #tpu.memory_space<hbm>>) target_semaphore(%arg19 : memref<!tpu.dma_semaphore, #tpu.memory_space<semaphore_mem>>)
    %dma_wait3A_444 = arith.constant 0 : i32
    %dma_wait3A_445 = arith.constant 0 : i32
    %dma_wait3A_446 = tpu.memref_slice %arg2[%dma_wait3A_444, %dma_wait3A_445] : memref<8193x1024xf32, #tpu.memory_space<hbm>> -> memref<8193x1024xf32, #tpu.memory_space<hbm>>
    tpu.wait_indirect_dma semaphore(%arg18 : memref<!tpu.dma_semaphore, #tpu.memory_space<semaphore_mem>>) src(%dma_wait3A_446 : memref<8193x1024xf32, #tpu.memory_space<hbm>>) dst(%arg5 : memref<16x1024xf32, #tpu.memory_space<vmem>>)
    %add3A_447 = arith.constant 240 : i32
    %add3A_448 = arith.addi %mul3A_2, %add3A_447 : i32
    %dma_start3A_449 = arith.constant 0 : i32
    %dma_start3A_450 = tpu.memref_slice %arg3[%add3A_448, %dma_start3A_449] : memref<8192x1024xf32, #tpu.memory_space<hbm>> -> memref<16x1024xf32, #tpu.memory_space<hbm>>
    %dma_start3A_451 = arith.constant 0 : i32
    %dma_start3A_452 = tpu.memref_slice %arg3[%add3A_448, %dma_start3A_451] : memref<8192x1024xf32, #tpu.memory_space<hbm>> -> memref<16x1024xf32, #tpu.memory_space<hbm>>
    tpu.enqueue_dma source(%arg5 : memref<16x1024xf32, #tpu.memory_space<vmem>>) target(%dma_start3A_452 : memref<16x1024xf32, #tpu.memory_space<hbm>>) target_semaphore(%arg19 : memref<!tpu.dma_semaphore, #tpu.memory_space<semaphore_mem>>)
    %add3A_453 = arith.constant 144 : i32
    %add3A_454 = arith.addi %mul3A_2, %add3A_453 : i32
    %dma_wait3A_455 = arith.constant 0 : i32
    %dma_wait3A_456 = tpu.memref_slice %arg3[%add3A_454, %dma_wait3A_455] : memref<8192x1024xf32, #tpu.memory_space<hbm>> -> memref<16x1024xf32, #tpu.memory_space<hbm>>
    %dma_wait3A_457 = arith.constant 0 : i32
    %dma_wait3A_458 = tpu.memref_slice %arg3[%add3A_454, %dma_wait3A_457] : memref<8192x1024xf32, #tpu.memory_space<hbm>> -> memref<16x1024xf32, #tpu.memory_space<hbm>>
    tpu.wait_dma2 semaphore(%arg19 : memref<!tpu.dma_semaphore, #tpu.memory_space<semaphore_mem>>) src(%arg6 : memref<16x1024xf32, #tpu.memory_space<vmem>>) dst(%dma_wait3A_458 : memref<16x1024xf32, #tpu.memory_space<hbm>>)
    %add3A_459 = arith.constant 160 : i32
    %add3A_460 = arith.addi %mul3A_2, %add3A_459 : i32
    %dma_wait3A_461 = arith.constant 0 : i32
    %dma_wait3A_462 = tpu.memref_slice %arg3[%add3A_460, %dma_wait3A_461] : memref<8192x1024xf32, #tpu.memory_space<hbm>> -> memref<16x1024xf32, #tpu.memory_space<hbm>>
    %dma_wait3A_463 = arith.constant 0 : i32
    %dma_wait3A_464 = tpu.memref_slice %arg3[%add3A_460, %dma_wait3A_463] : memref<8192x1024xf32, #tpu.memory_space<hbm>> -> memref<16x1024xf32, #tpu.memory_space<hbm>>
    tpu.wait_dma2 semaphore(%arg19 : memref<!tpu.dma_semaphore, #tpu.memory_space<semaphore_mem>>) src(%arg7 : memref<16x1024xf32, #tpu.memory_space<vmem>>) dst(%dma_wait3A_464 : memref<16x1024xf32, #tpu.memory_space<hbm>>)
    %add3A_465 = arith.constant 176 : i32
    %add3A_466 = arith.addi %mul3A_2, %add3A_465 : i32
    %dma_wait3A_467 = arith.constant 0 : i32
    %dma_wait3A_468 = tpu.memref_slice %arg3[%add3A_466, %dma_wait3A_467] : memref<8192x1024xf32, #tpu.memory_space<hbm>> -> memref<16x1024xf32, #tpu.memory_space<hbm>>
    %dma_wait3A_469 = arith.constant 0 : i32
    %dma_wait3A_470 = tpu.memref_slice %arg3[%add3A_466, %dma_wait3A_469] : memref<8192x1024xf32, #tpu.memory_space<hbm>> -> memref<16x1024xf32, #tpu.memory_space<hbm>>
    tpu.wait_dma2 semaphore(%arg19 : memref<!tpu.dma_semaphore, #tpu.memory_space<semaphore_mem>>) src(%arg8 : memref<16x1024xf32, #tpu.memory_space<vmem>>) dst(%dma_wait3A_470 : memref<16x1024xf32, #tpu.memory_space<hbm>>)
    %add3A_471 = arith.constant 192 : i32
    %add3A_472 = arith.addi %mul3A_2, %add3A_471 : i32
    %dma_wait3A_473 = arith.constant 0 : i32
    %dma_wait3A_474 = tpu.memref_slice %arg3[%add3A_472, %dma_wait3A_473] : memref<8192x1024xf32, #tpu.memory_space<hbm>> -> memref<16x1024xf32, #tpu.memory_space<hbm>>
    %dma_wait3A_475 = arith.constant 0 : i32
    %dma_wait3A_476 = tpu.memref_slice %arg3[%add3A_472, %dma_wait3A_475] : memref<8192x1024xf32, #tpu.memory_space<hbm>> -> memref<16x1024xf32, #tpu.memory_space<hbm>>
    tpu.wait_dma2 semaphore(%arg19 : memref<!tpu.dma_semaphore, #tpu.memory_space<semaphore_mem>>) src(%arg9 : memref<16x1024xf32, #tpu.memory_space<vmem>>) dst(%dma_wait3A_476 : memref<16x1024xf32, #tpu.memory_space<hbm>>)
    %add3A_477 = arith.constant 208 : i32
    %add3A_478 = arith.addi %mul3A_2, %add3A_477 : i32
    %dma_wait3A_479 = arith.constant 0 : i32
    %dma_wait3A_480 = tpu.memref_slice %arg3[%add3A_478, %dma_wait3A_479] : memref<8192x1024xf32, #tpu.memory_space<hbm>> -> memref<16x1024xf32, #tpu.memory_space<hbm>>
    %dma_wait3A_481 = arith.constant 0 : i32
    %dma_wait3A_482 = tpu.memref_slice %arg3[%add3A_478, %dma_wait3A_481] : memref<8192x1024xf32, #tpu.memory_space<hbm>> -> memref<16x1024xf32, #tpu.memory_space<hbm>>
    tpu.wait_dma2 semaphore(%arg19 : memref<!tpu.dma_semaphore, #tpu.memory_space<semaphore_mem>>) src(%arg10 : memref<16x1024xf32, #tpu.memory_space<vmem>>) dst(%dma_wait3A_482 : memref<16x1024xf32, #tpu.memory_space<hbm>>)
    %add3A_483 = arith.constant 224 : i32
    %add3A_484 = arith.addi %mul3A_2, %add3A_483 : i32
    %dma_wait3A_485 = arith.constant 0 : i32
    %dma_wait3A_486 = tpu.memref_slice %arg3[%add3A_484, %dma_wait3A_485] : memref<8192x1024xf32, #tpu.memory_space<hbm>> -> memref<16x1024xf32, #tpu.memory_space<hbm>>
    %dma_wait3A_487 = arith.constant 0 : i32
    %dma_wait3A_488 = tpu.memref_slice %arg3[%add3A_484, %dma_wait3A_487] : memref<8192x1024xf32, #tpu.memory_space<hbm>> -> memref<16x1024xf32, #tpu.memory_space<hbm>>
    tpu.wait_dma2 semaphore(%arg19 : memref<!tpu.dma_semaphore, #tpu.memory_space<semaphore_mem>>) src(%arg4 : memref<16x1024xf32, #tpu.memory_space<vmem>>) dst(%dma_wait3A_488 : memref<16x1024xf32, #tpu.memory_space<hbm>>)
    %add3A_489 = arith.constant 240 : i32
    %add3A_490 = arith.addi %mul3A_2, %add3A_489 : i32
    %dma_wait3A_491 = arith.constant 0 : i32
    %dma_wait3A_492 = tpu.memref_slice %arg3[%add3A_490, %dma_wait3A_491] : memref<8192x1024xf32, #tpu.memory_space<hbm>> -> memref<16x1024xf32, #tpu.memory_space<hbm>>
    %dma_wait3A_493 = arith.constant 0 : i32
    %dma_wait3A_494 = tpu.memref_slice %arg3[%add3A_490, %dma_wait3A_493] : memref<8192x1024xf32, #tpu.memory_space<hbm>> -> memref<16x1024xf32, #tpu.memory_space<hbm>>
    tpu.wait_dma2 semaphore(%arg19 : memref<!tpu.dma_semaphore, #tpu.memory_space<semaphore_mem>>) src(%arg5 : memref<16x1024xf32, #tpu.memory_space<vmem>>) dst(%dma_wait3A_494 : memref<16x1024xf32, #tpu.memory_space<hbm>>)
    return
  }
}

</mosaic_0001>

<sc_bundles>
// kernel: kernel.3.cloned.1.call-start
scs
__scs_entry_jumppad:
0x0: {  	(pc) =	sbr.rel $0x88, $3  }
0x1: {  	(tag) =	ssettag $0x0;
	lr =	simm.s32 $0x1  }
0x2: {  	[smem:$0x3FA0] =	sst lr;
	_ =	strace $0xD0000000  }
0x3: {  	_ = 	snop  }
0x4: {  	_ = 	snop  }
0x5: {  	_ = 	snop  }
0x6: {  	_ = 	snop  }
0x7: {  	_ = 	snop  }
__scs_overlays_trampoline_lowered:
0x8: {  	[smem:$0x3FAF] =	sst s0  }
0x9: {  	[smem:$0x3FB0] =	sst s1  }
0xa: {  	[smem:$0x3FB1] =	sst s2  }
0xb: {  	[smem:$0x3FB2] =	sst s3  }
0xc: {  	[smem:$0x3FB3] =	sst s4  }
0xd: {  	[smem:$0x3FB4] =	sst s5  }
0xe: {  	[smem:$0x3FB5] =	sst s6  }
0xf: {  	[smem:$0x3FB6] =	sst s7  }
0x10: {  	[smem:$0x3FB7] =	sst s8  }
0x11: {  	[smem:$0x3FB8] =	sst s9;
	s0 =	simm.s32 @!p0 $0x0  }
0x12: {  	s1 =	sld [smem:$0x3F9E];
	s0 =	simm.s32 @p0 $0x1  }
0x13: {  	[smem:$0x3FB9] =	sst s0;
	s0 =	simm.s32 @!p1 $0x0  }
0x14: {  	s2 =	sld [smem:$0x3F9D];
	s0 =	simm.s32 @p1 $0x1  }
0x15: {  	[smem:$0x3FBA] =	sst s0;
	s0 =	simm.s32 @!p2 $0x0  }
0x16: {  	s3 =	sld [smem:$0x3FDB];
	s0 =	simm.s32 @p2 $0x1  }
0x17: {  	s4 =	simm.s32 $0x1BF5;
	[smem:$0x3FBC] =	sst s0  }
0x18: {  	s0 =	sld [smem:$0x3F9F];
	_ =	swait.ge [sflag:s4], $0x0  }
0x19: {  	s7 =	sld [smem:$0x3FA0]  }
0x1a: {  	s8 =	sadd.s32 $0xFFFFE003, lr  }
0x1b: {  	s9 =	sadd.s32 $0xFFFFFEF7, lr;
	s5 =	simm.s32 $0xFFFFFFFF;
	p2 =	slt.u32 s8, $0xFFFFF086  }
0x1c: {  	p1 =	slt.u32 s9, $0xF7A;
	s5 =	simm.s32 @!p2 $0x0  }
0x1d: {  	s5 =	simm.s32 @p1 $0x1;
	p0 =	seq.s32 s7, s2  }
0x1e: {  	s7 =	smul.u32 @!p0 $0xF7A, s2;
	p2 =	seq.s32 @!p0 s5, $0x0  }
0x1f: {  	s9 =	smul.u32 $0xF7A, s1;
	s8 =	simm.s32 @!p0 $0x1BF5;
	p2 =	por !p2, p0  }
0x20: {  	[sflag:s8] =	ssyncset.s32 @!p0 $0xFFFFF086;
	s6 =	sadd.s32 @!p0 s3, s7;
	s7 =	simm.s32 @!p0 $0x108  }
0x21: {  	s3 =	sadd.s32 s3, s9;
	s6 =	sadd.s32 @!p0 $0x88, s6;
	s7 =	simm.s32 @p2 $0x1082  }
0x22: {  	[simem:s7], [sflag:s8] =	dma.local @!p0 [hbm:s6], $0xF7A  }
0x23: {  	s9 =	sor.u32 $0xD0000000, s2;
	s6 =	simm.s32 $0x108;
	_ =	swait.ge @!p0 [sflag:s8], $0x0  }
0x24: {  	s3 =	sadd.s32 $0x88, s3;
	s6 =	simm.s32 @!p1 $0x1082;
	[sflag:s4] =	ssyncset.s32 $0xFFFFF086  }
0x25: {  	[simem:s6], [sflag:s4] =	dma.local [hbm:s3], $0xF7A  }
0x26: {  	[smem:$0x3FA0] =	sst s1;
	(tag) =	ssettag s2;
	_ =	strace s9  }
0x27: {  	s1 =	sld [smem:$0x3FB0]  }
0x28: {  	s2 =	sld [smem:$0x3FB1]  }
0x29: {  	s4 =	sld [smem:$0x3FB3]  }
0x2a: {  	p0 =	seq.s32 s5, $0x0;
	s5 =	sld [smem:$0x3FB4]  }
0x2b: {  	s6 =	sld [smem:$0x3FB5]  }
0x2c: {  	s7 =	sld [smem:$0x3FB6]  }
0x2d: {  	s3 =	simm.s32 $0x108;
	s8 =	sld [smem:$0x3FB7]  }
0x2e: {  	s3 =	simm.s32 @!p0 $0x1082;
	s9 =	sld [smem:$0x3FB8]  }
0x2f: {  	lr =	sadd.s32 s0, s3;
	s0 =	sld [smem:$0x3FAF]  }
0x30: {  	s3 =	sld [smem:$0x3FB2]  }
0x31: {  	[smem:$0x3FBB] =	sst s10  }
0x32: {  	s10 =	sld [smem:$0x3FB9];
	_ =	sdelay $0x3  }
0x33: {  	p0 =	seq.s32 s10, $0x1;
	s10 =	sld [smem:$0x3FBB];
	_ =	sdelay $0x3  }
0x34: {  	[smem:$0x3FBB] =	sst s10  }
0x35: {  	s10 =	sld [smem:$0x3FBA];
	_ =	sdelay $0x3  }
0x36: {  	p1 =	seq.s32 s10, $0x1;
	s10 =	sld [smem:$0x3FBB];
	_ =	sdelay $0x3  }
0x37: {  	[smem:$0x3FBB] =	sst s10  }
0x38: {  	s10 =	sld [smem:$0x3FBC]  }
0x39: {  	_ = 	snop;
	(pc) =	sbr.ind lr, $3  }
0x3a: {  	_ = 	snop  }
0x3b: {  	_ = 	snop  }
0x3c: {  	p2 =	seq.s32 s10, $0x1;
	s10 =	sld [smem:$0x3FBB]  }
0x3d: {  	_ =	shalt  }
0x3e: {  	_ =	shalt  }
0x3f: {  	_ =	shalt  }
0x40: {  	_ =	shalt  }
0x41: {  	_ =	shalt  }
0x42: {  	_ =	shalt  }
0x43: {  	_ =	shalt  }
0x44: {  	_ =	shalt  }
0x45: {  	_ =	shalt  }
0x46: {  	_ =	shalt  }
0x47: {  	_ =	shalt  }
0x48: {  	_ =	shalt  }
0x49: {  	_ =	shalt  }
0x4a: {  	_ =	shalt  }
0x4b: {  	_ =	shalt  }
0x4c: {  	_ =	shalt  }
0x4d: {  	_ =	shalt  }
0x4e: {  	_ =	shalt  }
0x4f: {  	_ =	shalt  }
0x50: {  	_ =	shalt  }
0x51: {  	_ =	shalt  }
0x52: {  	_ =	shalt  }
0x53: {  	_ =	shalt  }
0x54: {  	_ =	shalt  }
0x55: {  	_ =	shalt  }
0x56: {  	_ =	shalt  }
0x57: {  	_ =	shalt  }
0x58: {  	_ =	shalt  }
0x59: {  	_ =	shalt  }
0x5a: {  	_ =	shalt  }
0x5b: {  	_ =	shalt  }
0x5c: {  	_ =	shalt  }
0x5d: {  	_ =	shalt  }
0x5e: {  	_ =	shalt  }
0x5f: {  	_ =	shalt  }
0x60: {  	_ =	shalt  }
0x61: {  	_ =	shalt  }
0x62: {  	_ =	shalt  }
0x63: {  	_ =	shalt  }
0x64: {  	_ =	shalt  }
0x65: {  	_ =	shalt  }
0x66: {  	_ =	shalt  }
0x67: {  	_ =	shalt  }
0x68: {  	_ =	shalt  }
0x69: {  	_ =	shalt  }
0x6a: {  	_ =	shalt  }
0x6b: {  	_ =	shalt  }
0x6c: {  	_ =	shalt  }
0x6d: {  	_ =	shalt  }
0x6e: {  	_ =	shalt  }
0x6f: {  	_ =	shalt  }
0x70: {  	_ =	shalt  }
0x71: {  	_ =	shalt  }
0x72: {  	_ =	shalt  }
0x73: {  	_ =	shalt  }
0x74: {  	_ =	shalt  }
0x75: {  	_ =	shalt  }
0x76: {  	_ =	shalt  }
0x77: {  	_ =	shalt  }
0x78: {  	_ =	shalt  }
0x79: {  	_ =	shalt  }
0x7a: {  	_ =	shalt  }
0x7b: {  	_ =	shalt  }
0x7c: {  	_ =	shalt  }
0x7d: {  	_ =	shalt  }
0x7e: {  	_ =	shalt  }
0x7f: {  	_ =	shalt  }
0x80: {  	_ =	shalt  }
0x81: {  	_ =	shalt  }
0x82: {  	_ =	shalt  }
0x83: {  	_ =	shalt  }
0x84: {  	_ =	shalt  }
0x85: {  	_ =	shalt  }
0x86: {  	_ =	shalt  }
0x87: {  	_ =	shalt  }
.Lfunc_end0:
.L_simem_size_0:
called_computation_lowered:
.L_overlay_start_0:
0x88: {  	s2 =	sld [smem:$0x3FD9]  }
0x89: {  	s3 =	sld [smem:$0x3FFE];
	_ =	sdelay $0x1  }
0x8a: {  	s1 =	srdreg.scid  }
0x8b: {  	s0 =	sand.u32 $0x1, s1  }
0x8c: {  	s18 =	sshll.u32 s0, $0xA;
	s2 =	sadd.s32 s3, s2  }
0x8d: {  	s2 =	sadd.s32 s2, s18  }
0x8e: {  	[smem:$0x3FC7] =	sst s2  }
0x8f: {  	_ = 	snop  }
0x90: {  	s2 =	sld [smem:$0x3FC9]  }
0x91: {  	s19 =	sld [smem:$0x3FD0];
	(tm) =	ssettm $0x1  }
0x92: {  	s4 =	sld [smem:$0x3FFB];
	_ =	sdelay $0x3  }
0x93: {  	_ =	strace s4  }
0x94: {  	s4 =	sld [smem:$0x3FFC];
	_ =	sdelay $0x3  }
0x95: {  	_ =	strace s4  }
0x96: {  	s4 =	sld [smem:$0x3FFD];
	_ =	sdelay $0x3  }
0x97: {  	_ =	strace s4  }
0x98: {  	_ =	strace $0x8FFFFFFF  }
0x99: {  	s20 =	sld [smem:$0x3FDB];
	_ =	sdelay $0x1  }
0x9a: {  	s5 =	simm.s32 $_scs_section_size  }
0x9b: {  	s6 =	simm.s32 $_size__tile_overlayer_lowered;
	s7 =	simm.s32 $_tile_overlayer_lowered  }
0x9c: {  	s23 =	simm.s32 $0x1BFF;
	s22 =	sshll.u32 s7, $0x1;
	s4 =	sadd.s32 s5, s20  }
0x9d: {  	s8 =	simm.s32 $0x0;
	s21 =	sshll.u32 s6, $0x1;
	s6 =	sadd.s32 s22, s4  }
0x9e: {  	[timem:s8], [sflag:s23] =	dma.local [hbm:s6], s21  }
0x9f: {  	_ =	swait.ge [sflag:s23], s21  }
0xa0: {  	s5 =	ssub.s32 $0x0, s21;
	[sflag:s23] =	ssyncset.done $0x0  }
0xa1: {  	[sflag:s23] =	ssyncadd.s32 s5;
	_ =	sdelay $0x1  }
0xa2: {  	s24 =	simm.s32 $0x1B8B  }
0xa3: {  	_ =	swait.ge [sflag:s24], $0x1  }
0xa4: {  	[sflag:s24] =	ssyncset.done $0x0  }
0xa5: {  	s25 =	simm.s32 $0x1B8E;
	[sflag:s24] =	ssyncadd.s32 $0xFFFFFFFF  }
0xa6: {  	s26 =	simm.s32 $execute0_lowered;
	[smem:$0x3FD2] =	sst s25  }
0xa7: {  	s5 =	sshll.u32 s26, $0x1;
	_ =	strace $0x80000046;
	[dreg:$0x1] =	wrdreg $0xFFFFFFFF  }
0xa8: {  	s28 =	simm.s32 $_size_execute0_lowered;
	s4 =	sadd.s32 s4, s5;
	[dreg:$0x0] =	wrdreg $0x0  }
0xa9: {  	s5 =	sshll.u32 s28, $0x1;
	[dreg:$0x2] =	wrdreg s4  }
0xaa: {  	[dreg:$0x3] =	wrdreg s5  }
0xab: {  	[dreg:$0x4] =	wrdreg $0xC0  }
0xac: {  	_ =	task [dreg:s8], $0x5FFFF  }
0xad: {  	[dreg:$0x1] =	wrdreg $0xFFFFFFFF  }
0xae: {  	[dreg:$0x0] =	wrdreg $0x60  }
0xaf: {  	[dreg:$0x2] =	wrdreg s2  }
0xb0: {  	[dreg:$0x3] =	wrdreg s19  }
0xb1: {  	[dreg:$0x4] =	wrdreg $0x9  }
0xb2: {  	_ =	task.clear_ibuf [dreg:s8], $0x5FFFF;
	_ =	strace $0x90000046  }
0xb3: {  	s29 =	simm.s32 $0x9;
	_ =	strace $0x80000048  }
0xb4: {  	_ =	swait.ge [sflag:s29], $0x1  }
0xb5: {  	[sflag:s29] =	ssyncadd.s32 $0xFFFFFFFF  }
0xb6: {  	_ =	strace $0x90000048  }
0xb7: {  	_ =	sfence  }
0xb8: {  	s30 =	sld [smem:$0x0];
	_ =	sdelay $0x2  }
0xb9: {  	s31 =	sshll.u32 s1, $0xD;
	s1 =	sshrl.u32 s1, $0x2  }
0xba: {  	s3 =	sand.u32 $0x4000, s31;
	s1 =	sadd.s32 s1, s30  }
0xbb: {  	s0 =	sor.u32 s3, s0;
	s1 =	sshll.u32 s1, $0x11  }
0xbc: {  	s0 =	sor.u32 s1, s0  }
0xbd: {  	s0 =	sadd.s32 $0x8F2B, s0  }
0xbe: {  	[sflag:s0] =	ssyncadd.remote.s32 $0x1  }
0xbf: {  	_ =	sfence.sel $0xFFFF  }
0xc0: {  	[dreg:$0x0] =	wrdreg $0xFFFFFFFF;
	(pc) =	sbr.abs _section_cstart, $3  }
0xc1: {  	[dreg:$0x1] =	wrdreg $0xFFFFFFFF  }
0xc2: {  	_ =	task.clear_ibuf [dreg:s8], $0x2FFFF;
	_ =	strace $0x9FFFFFFF  }
0xc3: {  	(tm) =	ssettm $0x7FFFFFFF  }
tec
execute0_lowered:
.L_overlay_start_1:
0x0: {  	(tag) =	ssettag $0x1  }
0x1: {  	s0 =	srdreg.scid  }
0x2: {  	s1 =	stileid.u32;
	s2 =	sand.u32 $0x1, s0  }
0x3: {  	s12 =	sshll.u32 s1, $0x9;
	s13 =	sshll.u32 s2, $0x8  }
0x4: {  	s5 =	sor.u32 s13, s12  }
0x5: {  	v45 =	vlaneseq.u32;
	s0 =	sor.u32 $0x1, s5  }
0x6: {  	v0 =	vadd.s32 s0, v45  }
0x7: {  	v1 =	vshll.u32 v0, $0x3  }
0x8: {  	v2 =	vand.u32 $0x7, v0;
	v1 =	vand.u32 $0x7FFFFFC0, v1  }
0x9: {  	v46 =	vand.u32 $0x7, v45;
	v2 =	vor.u32 v2, v1;
	v1 =	vshrl.u32 v45, $0x3  }
0xa: {  	v3 =	vperm.xlane v2, v46;
	v47 =	vmul.u32 $0x8, v1;
	_ =	sdelay $0x1  }
0xb: {  	v1 =	vadd.s32 v47, v3  }
0xc: {  	s23 =	rddreg [dreg:$0x1];
	s3 =	simm.s32 $0x0  }
0xd: {  	[smem:$0x7FF] =	sst s3  }
0xe: {  	[dreg:$0x13] =	wrdreg s2  }
0xf: {  	vm0 =	vmmov $0xffff;
	s2 =	rddreg [dreg:$0x0];
	_ =	strace $0x80000047;
	[tilespmem:$0x1C000] =	vst v0  }
0x10: {  	v48 =	vor.u32 $0x8, v45;
	[tilespmem:s3], [sflag:$0x1] =	stream.indirect_vreg.gather [hbm4b:s2+s3], $0x80, v1, vm0, $0xb8;
	[tilespmem:$0x1C380] =	vst v63  }
0x11: {  	s14 =	simm.s32 $0x800;
	s4 =	sadd.s32 $0x100, s2;
	v2 =	vperm.xlane v2, v48  }
0x12: {  	[tilespmem:s14], [sflag:$0x1] =	stream.indirect_vreg.gather [hbm4b:s4+s3], $0x80, v1, vm0, $0xb8;
	[tilespmem:$0x1C380] =	vst v63  }
0x13: {  	s15 =	simm.s32 $0x1000;
	s6 =	sadd.s32 $0x200, s2;
	s1 =	sor.u32 $0x11, s5;
	v2 =	vadd.s32 v47, v2  }
0x14: {  	[tilespmem:s15], [sflag:$0x1] =	stream.indirect_vreg.gather [hbm4b:s6+s3], $0x80, v1, vm0, $0xb8;
	[tilespmem:$0x1C380] =	vst v63  }
0x15: {  	s16 =	simm.s32 $0x1800;
	s8 =	sadd.s32 $0x300, s2;
	v3 =	vadd.s32 s1, v45  }
0x16: {  	v4 =	vshll.u32 v3, $0x3;
	[tilespmem:s16], [sflag:$0x1] =	stream.indirect_vreg.gather [hbm4b:s8+s3], $0x80, v1, vm0, $0xb8;
	[tilespmem:$0x1C380] =	vst v63  }
0x17: {  	s17 =	simm.s32 $0x2000;
	v5 =	vand.u32 $0x7, v3;
	v4 =	vand.u32 $0x7FFFFFC0, v4  }
0x18: {  	v5 =	vor.u32 v5, v4;
	[tilespmem:s17], [sflag:$0x1] =	stream.indirect_vreg.gather [hbm4b:s2+s3], $0x80, v2, vm0, $0xb8;
	[tilespmem:$0x1C380] =	vst v63  }
0x19: {  	s18 =	simm.s32 $0x2800;
	v4 =	vperm.xlane v5, v46  }
0x1a: {  	[tilespmem:s18], [sflag:$0x1] =	stream.indirect_vreg.gather [hbm4b:s4+s3], $0x80, v2, vm0, $0xb8;
	[tilespmem:$0x1C380] =	vst v63  }
0x1b: {  	s19 =	simm.s32 $0x3000;
	v4 =	vadd.s32 v47, v4  }
0x1c: {  	[tilespmem:s19], [sflag:$0x1] =	stream.indirect_vreg.gather [hbm4b:s6+s3], $0x80, v2, vm0, $0xb8;
	[tilespmem:$0x1C380] =	vst v63  }
0x1d: {  	s20 =	simm.s32 $0x3800  }
0x1e: {  	[tilespmem:s20], [sflag:$0x1] =	stream.indirect_vreg.gather [hbm4b:s8+s3], $0x80, v2, vm0, $0xb8;
	[tilespmem:$0x1C380] =	vst v63  }
0x1f: {  	s31 =	simm.s32 $0x4000;
	[tilespmem:$0x1C080] =	vst v3  }
0x20: {  	[tilespmem:s31], [sflag:$0x1] =	stream.indirect_vreg.gather [hbm4b:s2+s3], $0x80, v4, vm0, $0xb8;
	[tilespmem:$0x1C380] =	vst v63  }
0x21: {  	s21 =	simm.s32 $0x4800;
	v5 =	vperm.xlane v5, v48  }
0x22: {  	[tilespmem:s21], [sflag:$0x1] =	stream.indirect_vreg.gather [hbm4b:s4+s3], $0x80, v4, vm0, $0xb8;
	[tilespmem:$0x1C380] =	vst v63  }
0x23: {  	s24 =	simm.s32 $0x5000;
	s22 =	sor.u32 $0x21, s5;
	v5 =	vadd.s32 v47, v5  }
0x24: {  	[tilespmem:s24], [sflag:$0x1] =	stream.indirect_vreg.gather [hbm4b:s6+s3], $0x80, v4, vm0, $0xb8;
	[tilespmem:$0x1C380] =	vst v63  }
0x25: {  	s26 =	simm.s32 $0x5800;
	v6 =	vadd.s32 s22, v45  }
0x26: {  	v7 =	vshll.u32 v6, $0x3;
	[tilespmem:s26], [sflag:$0x1] =	stream.indirect_vreg.gather [hbm4b:s8+s3], $0x80, v4, vm0, $0xb8;
	[tilespmem:$0x1C380] =	vst v63  }
0x27: {  	s28 =	simm.s32 $0x6000;
	v8 =	vand.u32 $0x7, v6;
	v7 =	vand.u32 $0x7FFFFFC0, v7  }
0x28: {  	v8 =	vor.u32 v8, v7;
	[tilespmem:s28], [sflag:$0x1] =	stream.indirect_vreg.gather [hbm4b:s2+s3], $0x80, v5, vm0, $0xb8;
	[tilespmem:$0x1C380] =	vst v63  }
0x29: {  	s29 =	simm.s32 $0x6800;
	v7 =	vperm.xlane v8, v46  }
0x2a: {  	[tilespmem:s29], [sflag:$0x1] =	stream.indirect_vreg.gather [hbm4b:s4+s3], $0x80, v5, vm0, $0xb8;
	[tilespmem:$0x1C380] =	vst v63  }
0x2b: {  	s30 =	simm.s32 $0x7000;
	v7 =	vadd.s32 v47, v7  }
0x2c: {  	[tilespmem:s30], [sflag:$0x1] =	stream.indirect_vreg.gather [hbm4b:s6+s3], $0x80, v5, vm0, $0xb8;
	[tilespmem:$0x1C380] =	vst v63  }
0x2d: {  	s1 =	simm.s32 $0x7800  }
0x2e: {  	[tilespmem:s1], [sflag:$0x1] =	stream.indirect_vreg.gather [hbm4b:s8+s3], $0x80, v5, vm0, $0xb8;
	[tilespmem:$0x1C380] =	vst v63  }
0x2f: {  	s7 =	simm.s32 $0x8000;
	[tilespmem:$0x1C100] =	vst v6  }
0x30: {  	[tilespmem:s7], [sflag:$0x1] =	stream.indirect_vreg.gather [hbm4b:s2+s3], $0x80, v7, vm0, $0xb8;
	[tilespmem:$0x1C380] =	vst v63  }
0x31: {  	v8 =	vperm.xlane v8, v48;
	s14 =	simm.s32 $0x8800  }
0x32: {  	[tilespmem:s14], [sflag:$0x1] =	stream.indirect_vreg.gather [hbm4b:s4+s3], $0x80, v7, vm0, $0xb8;
	[tilespmem:$0x1C380] =	vst v63  }
0x33: {  	v8 =	vadd.s32 v47, v8;
	s15 =	simm.s32 $0x9000;
	s16 =	sor.u32 $0x31, s5  }
0x34: {  	[tilespmem:s15], [sflag:$0x1] =	stream.indirect_vreg.gather [hbm4b:s6+s3], $0x80, v7, vm0, $0xb8;
	[tilespmem:$0x1C380] =	vst v63  }
0x35: {  	v9 =	vadd.s32 s16, v45;
	s17 =	simm.s32 $0x9800  }
0x36: {  	v10 =	vshll.u32 v9, $0x3;
	[tilespmem:s17], [sflag:$0x1] =	stream.indirect_vreg.gather [hbm4b:s8+s3], $0x80, v7, vm0, $0xb8;
	[tilespmem:$0x1C380] =	vst v63  }
0x37: {  	v11 =	vand.u32 $0x7, v9;
	v10 =	vand.u32 $0x7FFFFFC0, v10;
	s18 =	simm.s32 $0xA000  }
0x38: {  	v11 =	vor.u32 v11, v10;
	[tilespmem:s18], [sflag:$0x1] =	stream.indirect_vreg.gather [hbm4b:s2+s3], $0x80, v8, vm0, $0xb8;
	[tilespmem:$0x1C380] =	vst v63  }
0x39: {  	v10 =	vperm.xlane v11, v46;
	s28 =	simm.s32 $0xA800  }
0x3a: {  	[tilespmem:s28], [sflag:$0x1] =	stream.indirect_vreg.gather [hbm4b:s4+s3], $0x80, v8, vm0, $0xb8;
	[tilespmem:$0x1C380] =	vst v63  }
0x3b: {  	v10 =	vadd.s32 v47, v10;
	s30 =	simm.s32 $0xB000  }
0x3c: {  	[tilespmem:s30], [sflag:$0x1] =	stream.indirect_vreg.gather [hbm4b:s6+s3], $0x80, v8, vm0, $0xb8;
	[tilespmem:$0x1C380] =	vst v63  }
0x3d: {  	s21 =	simm.s32 $0xB800  }
0x3e: {  	[tilespmem:s21], [sflag:$0x1] =	stream.indirect_vreg.gather [hbm4b:s8+s3], $0x80, v8, vm0, $0xb8;
	[tilespmem:$0x1C380] =	vst v63  }
0x3f: {  	s19 =	simm.s32 $0xC000;
	[tilespmem:$0x1C180] =	vst v9  }
0x40: {  	[tilespmem:s19], [sflag:$0x1] =	stream.indirect_vreg.gather [hbm4b:s2+s3], $0x80, v10, vm0, $0xb8;
	[tilespmem:$0x1C380] =	vst v63  }
0x41: {  	v11 =	vperm.xlane v11, v48;
	s20 =	simm.s32 $0xC800  }
0x42: {  	[tilespmem:s20], [sflag:$0x1] =	stream.indirect_vreg.gather [hbm4b:s4+s3], $0x80, v10, vm0, $0xb8;
	[tilespmem:$0x1C380] =	vst v63  }
0x43: {  	s22 =	simm.s32 $0xD000;
	v11 =	vadd.s32 v47, v11;
	s24 =	sor.u32 $0x41, s5  }
0x44: {  	[tilespmem:s22], [sflag:$0x1] =	stream.indirect_vreg.gather [hbm4b:s6+s3], $0x80, v10, vm0, $0xb8;
	[tilespmem:$0x1C380] =	vst v63  }
0x45: {  	v12 =	vadd.s32 s24, v45;
	s26 =	simm.s32 $0xD800  }
0x46: {  	v13 =	vshll.u32 v12, $0x3;
	[tilespmem:s26], [sflag:$0x1] =	stream.indirect_vreg.gather [hbm4b:s8+s3], $0x80, v10, vm0, $0xb8;
	[tilespmem:$0x1C380] =	vst v63  }
0x47: {  	v14 =	vand.u32 $0x7, v12;
	v13 =	vand.u32 $0x7FFFFFC0, v13;
	s29 =	simm.s32 $0xE000  }
0x48: {  	v14 =	vor.u32 v14, v13;
	[tilespmem:s29], [sflag:$0x1] =	stream.indirect_vreg.gather [hbm4b:s2+s3], $0x80, v11, vm0, $0xb8;
	[tilespmem:$0x1C380] =	vst v63  }
0x49: {  	v13 =	vperm.xlane v14, v46;
	s1 =	simm.s32 $0xE800  }
0x4a: {  	[tilespmem:s1], [sflag:$0x1] =	stream.indirect_vreg.gather [hbm4b:s4+s3], $0x80, v11, vm0, $0xb8;
	[tilespmem:$0x1C380] =	vst v63  }
0x4b: {  	v13 =	vadd.s32 v47, v13;
	s18 =	simm.s32 $0xF000  }
0x4c: {  	[tilespmem:s18], [sflag:$0x1] =	stream.indirect_vreg.gather [hbm4b:s6+s3], $0x80, v11, vm0, $0xb8;
	[tilespmem:$0x1C380] =	vst v63  }
0x4d: {  	s7 =	simm.s32 $0xF800  }
0x4e: {  	[tilespmem:s7], [sflag:$0x1] =	stream.indirect_vreg.gather [hbm4b:s8+s3], $0x80, v11, vm0, $0xb8;
	[tilespmem:$0x1C380] =	vst v63  }
0x4f: {  	s17 =	simm.s32 $0x10000;
	[tilespmem:$0x1C200] =	vst v12  }
0x50: {  	[tilespmem:s17], [sflag:$0x1] =	stream.indirect_vreg.gather [hbm4b:s2+s3], $0x80, v13, vm0, $0xb8;
	[tilespmem:$0x1C380] =	vst v63  }
0x51: {  	v14 =	vperm.xlane v14, v48;
	s14 =	simm.s32 $0x10800  }
0x52: {  	[tilespmem:s14], [sflag:$0x1] =	stream.indirect_vreg.gather [hbm4b:s4+s3], $0x80, v13, vm0, $0xb8;
	[tilespmem:$0x1C380] =	vst v63  }
0x53: {  	s16 =	sor.u32 $0x51, s5;
	v14 =	vadd.s32 v47, v14;
	s15 =	simm.s32 $0x11000  }
0x54: {  	[tilespmem:s15], [sflag:$0x1] =	stream.indirect_vreg.gather [hbm4b:s6+s3], $0x80, v13, vm0, $0xb8;
	[tilespmem:$0x1C380] =	vst v63  }
0x55: {  	v15 =	vadd.s32 s16, v45;
	s19 =	simm.s32 $0x11800  }
0x56: {  	v16 =	vshll.u32 v15, $0x3;
	[tilespmem:s19], [sflag:$0x1] =	stream.indirect_vreg.gather [hbm4b:s8+s3], $0x80, v13, vm0, $0xb8;
	[tilespmem:$0x1C380] =	vst v63  }
0x57: {  	v17 =	vand.u32 $0x7, v15;
	v16 =	vand.u32 $0x7FFFFFC0, v16;
	s20 =	simm.s32 $0x12000  }
0x58: {  	v17 =	vor.u32 v17, v16;
	[tilespmem:s20], [sflag:$0x1] =	stream.indirect_vreg.gather [hbm4b:s2+s3], $0x80, v14, vm0, $0xb8;
	[tilespmem:$0x1C380] =	vst v63  }
0x59: {  	v16 =	vperm.xlane v17, v46;
	s26 =	simm.s32 $0x12800  }
0x5a: {  	[tilespmem:s26], [sflag:$0x1] =	stream.indirect_vreg.gather [hbm4b:s4+s3], $0x80, v14, vm0, $0xb8;
	[tilespmem:$0x1C380] =	vst v63  }
0x5b: {  	v16 =	vadd.s32 v47, v16;
	s20 =	simm.s32 $0x13000  }
0x5c: {  	[tilespmem:s20], [sflag:$0x1] =	stream.indirect_vreg.gather [hbm4b:s6+s3], $0x80, v14, vm0, $0xb8;
	[tilespmem:$0x1C380] =	vst v63  }
0x5d: {  	s22 =	simm.s32 $0x13800  }
0x5e: {  	[tilespmem:s22], [sflag:$0x1] =	stream.indirect_vreg.gather [hbm4b:s8+s3], $0x80, v14, vm0, $0xb8;
	[tilespmem:$0x1C380] =	vst v63  }
0x5f: {  	s16 =	simm.s32 $0x14000;
	[tilespmem:$0x1C280] =	vst v15  }
0x60: {  	[tilespmem:s16], [sflag:$0x1] =	stream.indirect_vreg.gather [hbm4b:s2+s3], $0x80, v16, vm0, $0xb8;
	[tilespmem:$0x1C380] =	vst v63  }
0x61: {  	v17 =	vperm.xlane v17, v48;
	s24 =	simm.s32 $0x14800  }
0x62: {  	[tilespmem:s24], [sflag:$0x1] =	stream.indirect_vreg.gather [hbm4b:s4+s3], $0x80, v16, vm0, $0xb8;
	[tilespmem:$0x1C380] =	vst v63  }
0x63: {  	s0 =	sor.u32 $0x61, s5;
	v17 =	vadd.s32 v47, v17;
	s29 =	simm.s32 $0x15000  }
0x64: {  	[tilespmem:s29], [sflag:$0x1] =	stream.indirect_vreg.gather [hbm4b:s6+s3], $0x80, v16, vm0, $0xb8;
	[tilespmem:$0x1C380] =	vst v63  }
0x65: {  	v18 =	vadd.s32 s0, v45;
	s7 =	simm.s32 $0x15800  }
0x66: {  	v19 =	vshll.u32 v18, $0x3;
	[tilespmem:s7], [sflag:$0x1] =	stream.indirect_vreg.gather [hbm4b:s8+s3], $0x80, v16, vm0, $0xb8;
	[tilespmem:$0x1C380] =	vst v63  }
0x67: {  	v20 =	vand.u32 $0x7, v18;
	v19 =	vand.u32 $0x7FFFFFC0, v19;
	s14 =	simm.s32 $0x16000  }
0x68: {  	v20 =	vor.u32 v20, v19;
	[tilespmem:s14], [sflag:$0x1] =	stream.indirect_vreg.gather [hbm4b:s2+s3], $0x80, v17, vm0, $0xb8;
	[tilespmem:$0x1C380] =	vst v63  }
0x69: {  	v19 =	vperm.xlane v20, v46;
	s22 =	simm.s32 $0x16800  }
0x6a: {  	[tilespmem:s22], [sflag:$0x1] =	stream.indirect_vreg.gather [hbm4b:s4+s3], $0x80, v17, vm0, $0xb8;
	[tilespmem:$0x1C380] =	vst v63  }
0x6b: {  	v19 =	vadd.s32 v47, v19;
	s19 =	simm.s32 $0x17000  }
0x6c: {  	[tilespmem:s19], [sflag:$0x1] =	stream.indirect_vreg.gather [hbm4b:s6+s3], $0x80, v17, vm0, $0xb8;
	[tilespmem:$0x1C380] =	vst v63  }
0x6d: {  	s29 =	simm.s32 $0x17800  }
0x6e: {  	[tilespmem:s29], [sflag:$0x1] =	stream.indirect_vreg.gather [hbm4b:s8+s3], $0x80, v17, vm0, $0xb8;
	[tilespmem:$0x1C380] =	vst v63  }
0x6f: {  	s7 =	simm.s32 $0x18000;
	[tilespmem:$0x1C300] =	vst v18  }
0x70: {  	[tilespmem:s7], [sflag:$0x1] =	stream.indirect_vreg.gather [hbm4b:s2+s3], $0x80, v19, vm0, $0xb8;
	[tilespmem:$0x1C380] =	vst v63  }
0x71: {  	s15 =	simm.s32 $0x18800  }
0x72: {  	v20 =	vperm.xlane v20, v48;
	[tilespmem:s15], [sflag:$0x1] =	stream.indirect_vreg.gather [hbm4b:s4+s3], $0x80, v19, vm0, $0xb8;
	[tilespmem:$0x1C380] =	vst v63  }
0x73: {  	s24 =	simm.s32 $0x19000  }
0x74: {  	v20 =	vadd.s32 v47, v20;
	[tilespmem:s24], [sflag:$0x1] =	stream.indirect_vreg.gather [hbm4b:s6+s3], $0x80, v19, vm0, $0xb8;
	[tilespmem:$0x1C380] =	vst v63  }
0x75: {  	s0 =	sshll.u32 s5, $0x7;
	s1 =	simm.s32 $0x19800  }
0x76: {  	[tilespmem:s1], [sflag:$0x1] =	stream.indirect_vreg.gather [hbm4b:s8+s3], $0x80, v19, vm0, $0xb8;
	[tilespmem:$0x1C380] =	vst v63  }
0x77: {  	s1 =	sadd.s32 s23, s0  }
0x78: {  	s14 =	simm.s32 $0x1A000;
	s23 =	sadd.s32 $0x800, s1  }
0x79: {  	[tilespmem:s14], [sflag:$0x1] =	stream.indirect_vreg.gather [hbm4b:s2+s3], $0x80, v20, vm0, $0xb8;
	[tilespmem:$0x1C380] =	vst v63  }
0x7a: {  	s0 =	sadd.s32 $0x2000, s1;
	[dreg:$0x3] =	wrdreg s23  }
0x7b: {  	[dreg:$0x6] =	wrdreg s0;
	s0 =	sadd.s32 $0x4000, s1  }
0x7c: {  	s15 =	simm.s32 $0x1A800;
	[dreg:$0xa] =	wrdreg s0;
	s0 =	sadd.s32 $0x6000, s1  }
0x7d: {  	[tilespmem:s15], [sflag:$0x1] =	stream.indirect_vreg.gather [hbm4b:s4+s3], $0x80, v20, vm0, $0xb8;
	[tilespmem:$0x1C380] =	vst v63  }
0x7e: {  	s15 =	sadd.s32 $0x1000, s1;
	[dreg:$0xe] =	wrdreg s0  }
0x7f: {  	s0 =	sadd.s32 $0x7800, s1;
	[dreg:$0x4] =	wrdreg s15  }
0x80: {  	s24 =	simm.s32 $0x1B000;
	s15 =	sadd.s32 $0x3000, s1;
	[dreg:$0x11] =	wrdreg s0  }
0x81: {  	[tilespmem:s24], [sflag:$0x1] =	stream.indirect_vreg.gather [hbm4b:s6+s3], $0x80, v20, vm0, $0xb8;
	[tilespmem:$0x1C380] =	vst v63  }
0x82: {  	s24 =	sadd.s32 $0x1800, s1;
	[dreg:$0x8] =	wrdreg s15  }
0x83: {  	s15 =	sadd.s32 $0x5000, s1;
	[dreg:$0x5] =	wrdreg s24  }
0x84: {  	s14 =	simm.s32 $0x1B800;
	s24 =	sadd.s32 $0x3800, s1;
	[dreg:$0xc] =	wrdreg s15  }
0x85: {  	[tilespmem:s14], [sflag:$0x1] =	stream.indirect_vreg.gather [hbm4b:s8+s3], $0x80, v20, vm0, $0xb8;
	[tilespmem:$0x1C380] =	vst v63  }
0x86: {  	s14 =	sadd.s32 $0x2800, s1;
	[dreg:$0x9] =	wrdreg s24  }
0x87: {  	s24 =	sadd.s32 $0x5800, s1;
	[dreg:$0x7] =	wrdreg s14  }
0x88: {  	s15 =	sor.u32 $0x71, s5;
	s14 =	sadd.s32 $0x4800, s1;
	[dreg:$0xd] =	wrdreg s24  }
0x89: {  	v21 =	vadd.s32 s15, v45;
	s24 =	sadd.s32 $0x7000, s1;
	[dreg:$0xb] =	wrdreg s14  }
0x8a: {  	v22 =	vshll.u32 v21, $0x3;
	s14 =	sadd.s32 $0x6800, s1;
	[dreg:$0x10] =	wrdreg s24  }
0x8b: {  	s23 =	simm.s32 $0x1;
	v23 =	vand.u32 $0x7, v21;
	v22 =	vand.u32 $0x7FFFFFC0, v22;
	[dreg:$0xf] =	wrdreg s14  }
0x8c: {  	v23 =	vor.u32 v23, v22;
	_ =	swait.ge [sflag:s23], $0x4000  }
0x8d: {  	v22 =	vperm.xlane v23, v46;
	[sflag:s23] =	ssyncset.done $0x0  }
0x8e: {  	s24 =	simm.s32 $0x2;
	[dreg:$0x12] =	wrdreg s1;
	[sflag:s23] =	ssyncadd.s32 $0xFFFFC000  }
0x8f: {  	v22 =	vadd.s32 v47, v22;
	[hbm4b:s1+s3] =	stream.linear.scatter [tilespmem:s3], [sflag:$0x2], $0x4000, $0x38;
	[tilespmem:$0x1C380] =	vst v63  }
0x90: {  	_ =	swait.ge [sflag:s24], $0x4000  }
0x91: {  	[sflag:s24] =	ssyncset.done $0x0  }
0x92: {  	[sflag:s24] =	ssyncadd.s32 $0xFFFFC000  }
0x93: {  	[tilespmem:$0x1C000] =	vst v21  }
0x94: {  	[tilespmem:s3], [sflag:$0x1] =	stream.indirect_vreg.gather [hbm4b:s2+s3], $0x80, v22, vm0, $0xb8;
	[tilespmem:$0x1C380] =	vst v63  }
0x95: {  	s15 =	simm.s32 $0x800;
	v23 =	vperm.xlane v23, v48  }
0x96: {  	[tilespmem:s15], [sflag:$0x1] =	stream.indirect_vreg.gather [hbm4b:s4+s3], $0x80, v22, vm0, $0xb8;
	[tilespmem:$0x1C380] =	vst v63  }
0x97: {  	s25 =	simm.s32 $0x1000;
	v23 =	vadd.s32 v47, v23  }
0x98: {  	[tilespmem:s25], [sflag:$0x1] =	stream.indirect_vreg.gather [hbm4b:s6+s3], $0x80, v22, vm0, $0xb8;
	[tilespmem:$0x1C380] =	vst v63  }
0x99: {  	s9 =	simm.s32 $0x1800  }
0x9a: {  	[tilespmem:s9], [sflag:$0x1] =	stream.indirect_vreg.gather [hbm4b:s8+s3], $0x80, v22, vm0, $0xb8;
	[tilespmem:$0x1C380] =	vst v63  }
0x9b: {  	s10 =	simm.s32 $0x2000  }
0x9c: {  	[tilespmem:s10], [sflag:$0x1] =	stream.indirect_vreg.gather [hbm4b:s2+s3], $0x80, v23, vm0, $0xb8;
	[tilespmem:$0x1C380] =	vst v63  }
0x9d: {  	s12 =	simm.s32 $0x2800  }
0x9e: {  	[tilespmem:s12], [sflag:$0x1] =	stream.indirect_vreg.gather [hbm4b:s4+s3], $0x80, v23, vm0, $0xb8;
	[tilespmem:$0x1C380] =	vst v63  }
0x9f: {  	s13 =	simm.s32 $0x3000;
	s14 =	sor.u32 $0x81, s5  }
0xa0: {  	v24 =	vadd.s32 s14, v45;
	[tilespmem:s13], [sflag:$0x1] =	stream.indirect_vreg.gather [hbm4b:s6+s3], $0x80, v23, vm0, $0xb8;
	[tilespmem:$0x1C380] =	vst v63  }
0xa1: {  	s11 =	simm.s32 $0x3800;
	v25 =	vshll.u32 v24, $0x3  }
0xa2: {  	v26 =	vand.u32 $0x7, v24;
	v25 =	vand.u32 $0x7FFFFFC0, v25;
	[tilespmem:s11], [sflag:$0x1] =	stream.indirect_vreg.gather [hbm4b:s8+s3], $0x80, v23, vm0, $0xb8;
	[tilespmem:$0x1C380] =	vst v63  }
0xa3: {  	v26 =	vor.u32 v26, v25;
	_ =	swait.ge [sflag:s23], $0x4000  }
0xa4: {  	v25 =	vperm.xlane v26, v46;
	[sflag:s23] =	ssyncset.done $0x0  }
0xa5: {  	s0 =	rddreg [dreg:$0x3];
	[sflag:s23] =	ssyncadd.s32 $0xFFFFC000  }
0xa6: {  	v25 =	vadd.s32 v47, v25;
	[hbm4b:s0+s3] =	stream.linear.scatter [tilespmem:s31], [sflag:$0x2], $0x4000, $0x38;
	[tilespmem:$0x1C380] =	vst v63  }
0xa7: {  	_ =	swait.ge [sflag:s24], $0x4000  }
0xa8: {  	[sflag:s24] =	ssyncset.done $0x0  }
0xa9: {  	[sflag:s24] =	ssyncadd.s32 $0xFFFFC000  }
0xaa: {  	[tilespmem:$0x1C080] =	vst v24  }
0xab: {  	[tilespmem:s31], [sflag:$0x1] =	stream.indirect_vreg.gather [hbm4b:s2+s3], $0x80, v25, vm0, $0xb8;
	[tilespmem:$0x1C380] =	vst v63  }
0xac: {  	v26 =	vperm.xlane v26, v48;
	s12 =	simm.s32 $0x4800  }
0xad: {  	[tilespmem:s12], [sflag:$0x1] =	stream.indirect_vreg.gather [hbm4b:s4+s3], $0x80, v25, vm0, $0xb8;
	[tilespmem:$0x1C380] =	vst v63  }
0xae: {  	v26 =	vadd.s32 v47, v26;
	s9 =	simm.s32 $0x5000  }
0xaf: {  	[tilespmem:s9], [sflag:$0x1] =	stream.indirect_vreg.gather [hbm4b:s6+s3], $0x80, v25, vm0, $0xb8;
	[tilespmem:$0x1C380] =	vst v63  }
0xb0: {  	s10 =	simm.s32 $0x5800  }
0xb1: {  	[tilespmem:s10], [sflag:$0x1] =	stream.indirect_vreg.gather [hbm4b:s8+s3], $0x80, v25, vm0, $0xb8;
	[tilespmem:$0x1C380] =	vst v63  }
0xb2: {  	s11 =	simm.s32 $0x6000  }
0xb3: {  	[tilespmem:s11], [sflag:$0x1] =	stream.indirect_vreg.gather [hbm4b:s2+s3], $0x80, v26, vm0, $0xb8;
	[tilespmem:$0x1C380] =	vst v63  }
0xb4: {  	s13 =	simm.s32 $0x6800  }
0xb5: {  	[tilespmem:s13], [sflag:$0x1] =	stream.indirect_vreg.gather [hbm4b:s4+s3], $0x80, v26, vm0, $0xb8;
	[tilespmem:$0x1C380] =	vst v63  }
0xb6: {  	s14 =	simm.s32 $0x7000;
	s1 =	sor.u32 $0x91, s5  }
0xb7: {  	v27 =	vadd.s32 s1, v45;
	[tilespmem:s14], [sflag:$0x1] =	stream.indirect_vreg.gather [hbm4b:s6+s3], $0x80, v26, vm0, $0xb8;
	[tilespmem:$0x1C380] =	vst v63  }
0xb8: {  	s1 =	simm.s32 $0x7800;
	v28 =	vshll.u32 v27, $0x3  }
0xb9: {  	v29 =	vand.u32 $0x7, v27;
	v28 =	vand.u32 $0x7FFFFFC0, v28;
	[tilespmem:s1], [sflag:$0x1] =	stream.indirect_vreg.gather [hbm4b:s8+s3], $0x80, v26, vm0, $0xb8;
	[tilespmem:$0x1C380] =	vst v63  }
0xba: {  	v29 =	vor.u32 v29, v28;
	_ =	swait.ge [sflag:s23], $0x4000  }
0xbb: {  	v28 =	vperm.xlane v29, v46;
	[sflag:s23] =	ssyncset.done $0x0  }
0xbc: {  	s0 =	simm.s32 $0x8000;
	s25 =	rddreg [dreg:$0x4];
	[sflag:s23] =	ssyncadd.s32 $0xFFFFC000  }
0xbd: {  	v28 =	vadd.s32 v47, v28;
	[hbm4b:s25+s3] =	stream.linear.scatter [tilespmem:s0], [sflag:$0x2], $0x4000, $0x38;
	[tilespmem:$0x1C380] =	vst v63  }
0xbe: {  	_ =	swait.ge [sflag:s24], $0x4000  }
0xbf: {  	[sflag:s24] =	ssyncset.done $0x0  }
0xc0: {  	[sflag:s24] =	ssyncadd.s32 $0xFFFFC000  }
0xc1: {  	[tilespmem:$0x1C100] =	vst v27  }
0xc2: {  	[tilespmem:s0], [sflag:$0x1] =	stream.indirect_vreg.gather [hbm4b:s2+s3], $0x80, v28, vm0, $0xb8;
	[tilespmem:$0x1C380] =	vst v63  }
0xc3: {  	v29 =	vperm.xlane v29, v48;
	s25 =	simm.s32 $0x8800  }
0xc4: {  	[tilespmem:s25], [sflag:$0x1] =	stream.indirect_vreg.gather [hbm4b:s4+s3], $0x80, v28, vm0, $0xb8;
	[tilespmem:$0x1C380] =	vst v63  }
0xc5: {  	v29 =	vadd.s32 v47, v29;
	s25 =	simm.s32 $0x9000  }
0xc6: {  	[tilespmem:s25], [sflag:$0x1] =	stream.indirect_vreg.gather [hbm4b:s6+s3], $0x80, v28, vm0, $0xb8;
	[tilespmem:$0x1C380] =	vst v63  }
0xc7: {  	s25 =	simm.s32 $0x9800  }
0xc8: {  	[tilespmem:s25], [sflag:$0x1] =	stream.indirect_vreg.gather [hbm4b:s8+s3], $0x80, v28, vm0, $0xb8;
	[tilespmem:$0x1C380] =	vst v63  }
0xc9: {  	s25 =	simm.s32 $0xA000  }
0xca: {  	[tilespmem:s25], [sflag:$0x1] =	stream.indirect_vreg.gather [hbm4b:s2+s3], $0x80, v29, vm0, $0xb8;
	[tilespmem:$0x1C380] =	vst v63  }
0xcb: {  	_ = 	snop  }
0xcc: {  	[tilespmem:s28], [sflag:$0x1] =	stream.indirect_vreg.gather [hbm4b:s4+s3], $0x80, v29, vm0, $0xb8;
	[tilespmem:$0x1C380] =	vst v63  }
0xcd: {  	s0 =	sor.u32 $0xA1, s5  }
0xce: {  	v30 =	vadd.s32 s0, v45;
	[tilespmem:s30], [sflag:$0x1] =	stream.indirect_vreg.gather [hbm4b:s6+s3], $0x80, v29, vm0, $0xb8;
	[tilespmem:$0x1C380] =	vst v63  }
0xcf: {  	v31 =	vshll.u32 v30, $0x3  }
0xd0: {  	v32 =	vand.u32 $0x7, v30;
	v31 =	vand.u32 $0x7FFFFFC0, v31;
	[tilespmem:s21], [sflag:$0x1] =	stream.indirect_vreg.gather [hbm4b:s8+s3], $0x80, v29, vm0, $0xb8;
	[tilespmem:$0x1C380] =	vst v63  }
0xd1: {  	v32 =	vor.u32 v32, v31;
	_ =	swait.ge [sflag:s23], $0x4000  }
0xd2: {  	v31 =	vperm.xlane v32, v46;
	[sflag:s23] =	ssyncset.done $0x0  }
0xd3: {  	s28 =	simm.s32 $0xC000;
	s21 =	rddreg [dreg:$0x5];
	[sflag:s23] =	ssyncadd.s32 $0xFFFFC000  }
0xd4: {  	v31 =	vadd.s32 v47, v31;
	[hbm4b:s21+s3] =	stream.linear.scatter [tilespmem:s28], [sflag:$0x2], $0x4000, $0x38;
	[tilespmem:$0x1C380] =	vst v63  }
0xd5: {  	_ =	swait.ge [sflag:s24], $0x4000  }
0xd6: {  	[sflag:s24] =	ssyncset.done $0x0  }
0xd7: {  	[sflag:s24] =	ssyncadd.s32 $0xFFFFC000  }
0xd8: {  	[tilespmem:$0x1C180] =	vst v30  }
0xd9: {  	[tilespmem:s28], [sflag:$0x1] =	stream.indirect_vreg.gather [hbm4b:s2+s3], $0x80, v31, vm0, $0xb8;
	[tilespmem:$0x1C380] =	vst v63  }
0xda: {  	v32 =	vperm.xlane v32, v48;
	s30 =	simm.s32 $0xC800  }
0xdb: {  	[tilespmem:s30], [sflag:$0x1] =	stream.indirect_vreg.gather [hbm4b:s4+s3], $0x80, v31, vm0, $0xb8;
	[tilespmem:$0x1C380] =	vst v63  }
0xdc: {  	v32 =	vadd.s32 v47, v32;
	s25 =	simm.s32 $0xD000  }
0xdd: {  	[tilespmem:s25], [sflag:$0x1] =	stream.indirect_vreg.gather [hbm4b:s6+s3], $0x80, v31, vm0, $0xb8;
	[tilespmem:$0x1C380] =	vst v63  }
0xde: {  	s28 =	simm.s32 $0xD800  }
0xdf: {  	[tilespmem:s28], [sflag:$0x1] =	stream.indirect_vreg.gather [hbm4b:s8+s3], $0x80, v31, vm0, $0xb8;
	[tilespmem:$0x1C380] =	vst v63  }
0xe0: {  	s30 =	simm.s32 $0xE000  }
0xe1: {  	[tilespmem:s30], [sflag:$0x1] =	stream.indirect_vreg.gather [hbm4b:s2+s3], $0x80, v32, vm0, $0xb8;
	[tilespmem:$0x1C380] =	vst v63  }
0xe2: {  	s25 =	simm.s32 $0xE800  }
0xe3: {  	[tilespmem:s25], [sflag:$0x1] =	stream.indirect_vreg.gather [hbm4b:s4+s3], $0x80, v32, vm0, $0xb8;
	[tilespmem:$0x1C380] =	vst v63  }
0xe4: {  	s28 =	sor.u32 $0xB1, s5  }
0xe5: {  	v33 =	vadd.s32 s28, v45;
	[tilespmem:s18], [sflag:$0x1] =	stream.indirect_vreg.gather [hbm4b:s6+s3], $0x80, v32, vm0, $0xb8;
	[tilespmem:$0x1C380] =	vst v63  }
0xe6: {  	v34 =	vshll.u32 v33, $0x3;
	s30 =	simm.s32 $0xF800  }
0xe7: {  	v35 =	vand.u32 $0x7, v33;
	v34 =	vand.u32 $0x7FFFFFC0, v34;
	[tilespmem:s30], [sflag:$0x1] =	stream.indirect_vreg.gather [hbm4b:s8+s3], $0x80, v32, vm0, $0xb8;
	[tilespmem:$0x1C380] =	vst v63  }
0xe8: {  	v35 =	vor.u32 v35, v34;
	_ =	swait.ge [sflag:s23], $0x4000  }
0xe9: {  	v34 =	vperm.xlane v35, v46;
	[sflag:s23] =	ssyncset.done $0x0  }
0xea: {  	s18 =	rddreg [dreg:$0x6];
	[sflag:s23] =	ssyncadd.s32 $0xFFFFC000  }
0xeb: {  	v34 =	vadd.s32 v47, v34;
	[hbm4b:s18+s3] =	stream.linear.scatter [tilespmem:s17], [sflag:$0x2], $0x4000, $0x38;
	[tilespmem:$0x1C380] =	vst v63  }
0xec: {  	_ =	swait.ge [sflag:s24], $0x4000  }
0xed: {  	[sflag:s24] =	ssyncset.done $0x0  }
0xee: {  	[sflag:s24] =	ssyncadd.s32 $0xFFFFC000  }
0xef: {  	[tilespmem:$0x1C200] =	vst v33  }
0xf0: {  	[tilespmem:s17], [sflag:$0x1] =	stream.indirect_vreg.gather [hbm4b:s2+s3], $0x80, v34, vm0, $0xb8;
	[tilespmem:$0x1C380] =	vst v63  }
0xf1: {  	s21 =	simm.s32 $0x10800;
	v35 =	vperm.xlane v35, v48  }
0xf2: {  	[tilespmem:s21], [sflag:$0x1] =	stream.indirect_vreg.gather [hbm4b:s4+s3], $0x80, v34, vm0, $0xb8;
	[tilespmem:$0x1C380] =	vst v63  }
0xf3: {  	s25 =	simm.s32 $0x11000;
	v35 =	vadd.s32 v47, v35  }
0xf4: {  	[tilespmem:s25], [sflag:$0x1] =	stream.indirect_vreg.gather [hbm4b:s6+s3], $0x80, v34, vm0, $0xb8;
	[tilespmem:$0x1C380] =	vst v63  }
0xf5: {  	s28 =	simm.s32 $0x11800  }
0xf6: {  	[tilespmem:s28], [sflag:$0x1] =	stream.indirect_vreg.gather [hbm4b:s8+s3], $0x80, v34, vm0, $0xb8;
	[tilespmem:$0x1C380] =	vst v63  }
0xf7: {  	s30 =	simm.s32 $0x12000  }
0xf8: {  	[tilespmem:s30], [sflag:$0x1] =	stream.indirect_vreg.gather [hbm4b:s2+s3], $0x80, v35, vm0, $0xb8;
	[tilespmem:$0x1C380] =	vst v63  }
0xf9: {  	_ = 	snop  }
0xfa: {  	[tilespmem:s26], [sflag:$0x1] =	stream.indirect_vreg.gather [hbm4b:s4+s3], $0x80, v35, vm0, $0xb8;
	[tilespmem:$0x1C380] =	vst v63  }
0xfb: {  	s18 =	sor.u32 $0xC1, s5  }
0xfc: {  	v36 =	vadd.s32 s18, v45;
	[tilespmem:s20], [sflag:$0x1] =	stream.indirect_vreg.gather [hbm4b:s6+s3], $0x80, v35, vm0, $0xb8;
	[tilespmem:$0x1C380] =	vst v63  }
0xfd: {  	v37 =	vshll.u32 v36, $0x3;
	s20 =	simm.s32 $0x13800  }
0xfe: {  	v38 =	vand.u32 $0x7, v36;
	v37 =	vand.u32 $0x7FFFFFC0, v37;
	[tilespmem:s20], [sflag:$0x1] =	stream.indirect_vreg.gather [hbm4b:s8+s3], $0x80, v35, vm0, $0xb8;
	[tilespmem:$0x1C380] =	vst v63  }
0xff: {  	v38 =	vor.u32 v38, v37;
	_ =	swait.ge [sflag:s23], $0x4000  }
0x100: {  	v37 =	vperm.xlane v38, v46;
	[sflag:s23] =	ssyncset.done $0x0  }
0x101: {  	s21 =	rddreg [dreg:$0x7];
	[sflag:s23] =	ssyncadd.s32 $0xFFFFC000  }
0x102: {  	v37 =	vadd.s32 v47, v37;
	[hbm4b:s21+s3] =	stream.linear.scatter [tilespmem:s16], [sflag:$0x2], $0x4000, $0x38;
	[tilespmem:$0x1C380] =	vst v63  }
0x103: {  	_ =	swait.ge [sflag:s24], $0x4000  }
0x104: {  	[sflag:s24] =	ssyncset.done $0x0  }
0x105: {  	[sflag:s24] =	ssyncadd.s32 $0xFFFFC000  }
0x106: {  	[tilespmem:$0x1C280] =	vst v36  }
0x107: {  	[tilespmem:s16], [sflag:$0x1] =	stream.indirect_vreg.gather [hbm4b:s2+s3], $0x80, v37, vm0, $0xb8;
	[tilespmem:$0x1C380] =	vst v63  }
0x108: {  	v38 =	vperm.xlane v38, v48;
	s25 =	simm.s32 $0x14800  }
0x109: {  	[tilespmem:s25], [sflag:$0x1] =	stream.indirect_vreg.gather [hbm4b:s4+s3], $0x80, v37, vm0, $0xb8;
	[tilespmem:$0x1C380] =	vst v63  }
0x10a: {  	v38 =	vadd.s32 v47, v38;
	s26 =	simm.s32 $0x15000  }
0x10b: {  	[tilespmem:s26], [sflag:$0x1] =	stream.indirect_vreg.gather [hbm4b:s6+s3], $0x80, v37, vm0, $0xb8;
	[tilespmem:$0x1C380] =	vst v63  }
0x10c: {  	s28 =	simm.s32 $0x15800  }
0x10d: {  	[tilespmem:s28], [sflag:$0x1] =	stream.indirect_vreg.gather [hbm4b:s8+s3], $0x80, v37, vm0, $0xb8;
	[tilespmem:$0x1C380] =	vst v63  }
0x10e: {  	s30 =	simm.s32 $0x16000  }
0x10f: {  	[tilespmem:s30], [sflag:$0x1] =	stream.indirect_vreg.gather [hbm4b:s2+s3], $0x80, v38, vm0, $0xb8;
	[tilespmem:$0x1C380] =	vst v63  }
0x110: {  	_ = 	snop  }
0x111: {  	[tilespmem:s22], [sflag:$0x1] =	stream.indirect_vreg.gather [hbm4b:s4+s3], $0x80, v38, vm0, $0xb8;
	[tilespmem:$0x1C380] =	vst v63  }
0x112: {  	s20 =	sor.u32 $0xD1, s5  }
0x113: {  	v39 =	vadd.s32 s20, v45;
	[tilespmem:s19], [sflag:$0x1] =	stream.indirect_vreg.gather [hbm4b:s6+s3], $0x80, v38, vm0, $0xb8;
	[tilespmem:$0x1C380] =	vst v63  }
0x114: {  	v40 =	vshll.u32 v39, $0x3  }
0x115: {  	v41 =	vand.u32 $0x7, v39;
	v40 =	vand.u32 $0x7FFFFFC0, v40;
	[tilespmem:s29], [sflag:$0x1] =	stream.indirect_vreg.gather [hbm4b:s8+s3], $0x80, v38, vm0, $0xb8;
	[tilespmem:$0x1C380] =	vst v63  }
0x116: {  	v41 =	vor.u32 v41, v40;
	_ =	swait.ge [sflag:s23], $0x4000  }
0x117: {  	v40 =	vperm.xlane v41, v46;
	[sflag:s23] =	ssyncset.done $0x0  }
0x118: {  	s21 =	rddreg [dreg:$0x8];
	[sflag:s23] =	ssyncadd.s32 $0xFFFFC000  }
0x119: {  	v40 =	vadd.s32 v47, v40;
	[hbm4b:s21+s3] =	stream.linear.scatter [tilespmem:s7], [sflag:$0x2], $0x4000, $0x38;
	[tilespmem:$0x1C380] =	vst v63  }
0x11a: {  	_ =	swait.ge [sflag:s24], $0x4000  }
0x11b: {  	[sflag:s24] =	ssyncset.done $0x0  }
0x11c: {  	[sflag:s24] =	ssyncadd.s32 $0xFFFFC000  }
0x11d: {  	[tilespmem:$0x1C300] =	vst v39  }
0x11e: {  	[tilespmem:s7], [sflag:$0x1] =	stream.indirect_vreg.gather [hbm4b:s2+s3], $0x80, v40, vm0, $0xb8;
	[tilespmem:$0x1C380] =	vst v63  }
0x11f: {  	v41 =	vperm.xlane v41, v48;
	s22 =	simm.s32 $0x18800  }
0x120: {  	[tilespmem:s22], [sflag:$0x1] =	stream.indirect_vreg.gather [hbm4b:s4+s3], $0x80, v40, vm0, $0xb8;
	[tilespmem:$0x1C380] =	vst v63  }
0x121: {  	v41 =	vadd.s32 v47, v41;
	s25 =	simm.s32 $0x19000  }
0x122: {  	[tilespmem:s25], [sflag:$0x1] =	stream.indirect_vreg.gather [hbm4b:s6+s3], $0x80, v40, vm0, $0xb8;
	[tilespmem:$0x1C380] =	vst v63  }
0x123: {  	s26 =	simm.s32 $0x19800  }
0x124: {  	[tilespmem:s26], [sflag:$0x1] =	stream.indirect_vreg.gather [hbm4b:s8+s3], $0x80, v40, vm0, $0xb8;
	[tilespmem:$0x1C380] =	vst v63  }
0x125: {  	s28 =	simm.s32 $0x1A000  }
0x126: {  	[tilespmem:s28], [sflag:$0x1] =	stream.indirect_vreg.gather [hbm4b:s2+s3], $0x80, v41, vm0, $0xb8;
	[tilespmem:$0x1C380] =	vst v63  }
0x127: {  	s29 =	simm.s32 $0x1A800  }
0x128: {  	[tilespmem:s29], [sflag:$0x1] =	stream.indirect_vreg.gather [hbm4b:s4+s3], $0x80, v41, vm0, $0xb8;
	[tilespmem:$0x1C380] =	vst v63  }
0x129: {  	s18 =	sor.u32 $0xE1, s5;
	s30 =	simm.s32 $0x1B000  }
0x12a: {  	v42 =	vadd.s32 s18, v45;
	[tilespmem:s30], [sflag:$0x1] =	stream.indirect_vreg.gather [hbm4b:s6+s3], $0x80, v41, vm0, $0xb8;
	[tilespmem:$0x1C380] =	vst v63  }
0x12b: {  	v43 =	vshll.u32 v42, $0x3;
	s19 =	simm.s32 $0x1B800  }
0x12c: {  	v44 =	vand.u32 $0x7, v42;
	v43 =	vand.u32 $0x7FFFFFC0, v43;
	[tilespmem:s19], [sflag:$0x1] =	stream.indirect_vreg.gather [hbm4b:s8+s3], $0x80, v41, vm0, $0xb8;
	[tilespmem:$0x1C380] =	vst v63  }
0x12d: {  	v44 =	vor.u32 v44, v43;
	_ =	swait.ge [sflag:s23], $0x4000  }
0x12e: {  	v43 =	vperm.xlane v44, v46;
	[sflag:s23] =	ssyncset.done $0x0  }
0x12f: {  	s20 =	rddreg [dreg:$0x9];
	[sflag:s23] =	ssyncadd.s32 $0xFFFFC000  }
0x130: {  	v43 =	vadd.s32 v47, v43;
	[hbm4b:s20+s3] =	stream.linear.scatter [tilespmem:s3], [sflag:$0x2], $0x4000, $0x38;
	[tilespmem:$0x1C380] =	vst v63  }
0x131: {  	_ =	swait.ge [sflag:s24], $0x4000  }
0x132: {  	[sflag:s24] =	ssyncset.done $0x0  }
0x133: {  	[sflag:s24] =	ssyncadd.s32 $0xFFFFC000  }
0x134: {  	[tilespmem:$0x1C000] =	vst v42  }
0x135: {  	[tilespmem:s3], [sflag:$0x1] =	stream.indirect_vreg.gather [hbm4b:s2+s3], $0x80, v43, vm0, $0xb8;
	[tilespmem:$0x1C380] =	vst v63  }
0x136: {  	v44 =	vperm.xlane v44, v48  }
0x137: {  	[tilespmem:s15], [sflag:$0x1] =	stream.indirect_vreg.gather [hbm4b:s4+s3], $0x80, v43, vm0, $0xb8;
	[tilespmem:$0x1C380] =	vst v63  }
0x138: {  	v44 =	vadd.s32 v47, v44;
	s21 =	simm.s32 $0x1000  }
0x139: {  	[tilespmem:s21], [sflag:$0x1] =	stream.indirect_vreg.gather [hbm4b:s6+s3], $0x80, v43, vm0, $0xb8;
	[tilespmem:$0x1C380] =	vst v63  }
0x13a: {  	s22 =	simm.s32 $0x1800  }
0x13b: {  	[tilespmem:s22], [sflag:$0x1] =	stream.indirect_vreg.gather [hbm4b:s8+s3], $0x80, v43, vm0, $0xb8;
	[tilespmem:$0x1C380] =	vst v63  }
0x13c: {  	s25 =	simm.s32 $0x2000  }
0x13d: {  	[tilespmem:s25], [sflag:$0x1] =	stream.indirect_vreg.gather [hbm4b:s2+s3], $0x80, v44, vm0, $0xb8;
	[tilespmem:$0x1C380] =	vst v63  }
0x13e: {  	s26 =	simm.s32 $0x2800  }
0x13f: {  	[tilespmem:s26], [sflag:$0x1] =	stream.indirect_vreg.gather [hbm4b:s4+s3], $0x80, v44, vm0, $0xb8;
	[tilespmem:$0x1C380] =	vst v63  }
0x140: {  	s28 =	sor.u32 $0xF1, s5;
	s29 =	simm.s32 $0x3000  }
0x141: {  	v45 =	vadd.s32 s28, v45;
	[tilespmem:s29], [sflag:$0x1] =	stream.indirect_vreg.gather [hbm4b:s6+s3], $0x80, v44, vm0, $0xb8;
	[tilespmem:$0x1C380] =	vst v63  }
0x142: {  	v49 =	vshll.u32 v45, $0x3;
	s30 =	simm.s32 $0x3800  }
0x143: {  	v50 =	vand.u32 $0x7, v45;
	v49 =	vand.u32 $0x7FFFFFC0, v49;
	[tilespmem:s30], [sflag:$0x1] =	stream.indirect_vreg.gather [hbm4b:s8+s3], $0x80, v44, vm0, $0xb8;
	[tilespmem:$0x1C380] =	vst v63  }
0x144: {  	v49 =	vor.u32 v50, v49;
	_ =	swait.ge [sflag:s23], $0x4000  }
0x145: {  	v46 =	vperm.xlane v49, v46;
	[sflag:s23] =	ssyncset.done $0x0  }
0x146: {  	s15 =	rddreg [dreg:$0xa];
	[sflag:s23] =	ssyncadd.s32 $0xFFFFC000  }
0x147: {  	v46 =	vadd.s32 v47, v46;
	[hbm4b:s15+s3] =	stream.linear.scatter [tilespmem:s31], [sflag:$0x2], $0x4000, $0x38;
	[tilespmem:$0x1C380] =	vst v63  }
0x148: {  	_ =	swait.ge [sflag:s24], $0x4000  }
0x149: {  	[sflag:s24] =	ssyncset.done $0x0  }
0x14a: {  	[sflag:s24] =	ssyncadd.s32 $0xFFFFC000  }
0x14b: {  	[tilespmem:$0x1C080] =	vst v45  }
0x14c: {  	[tilespmem:s31], [sflag:$0x1] =	stream.indirect_vreg.gather [hbm4b:s2+s3], $0x80, v46, vm0, $0xb8;
	[tilespmem:$0x1C380] =	vst v63  }
0x14d: {  	v48 =	vperm.xlane v49, v48  }
0x14e: {  	[tilespmem:s12], [sflag:$0x1] =	stream.indirect_vreg.gather [hbm4b:s4+s3], $0x80, v46, vm0, $0xb8;
	[tilespmem:$0x1C380] =	vst v63  }
0x14f: {  	v47 =	vadd.s32 v47, v48  }
0x150: {  	[tilespmem:s9], [sflag:$0x1] =	stream.indirect_vreg.gather [hbm4b:s6+s3], $0x80, v46, vm0, $0xb8;
	[tilespmem:$0x1C380] =	vst v63  }
0x151: {  	_ = 	snop  }
0x152: {  	[tilespmem:s10], [sflag:$0x1] =	stream.indirect_vreg.gather [hbm4b:s8+s3], $0x80, v46, vm0, $0xb8;
	[tilespmem:$0x1C380] =	vst v63  }
0x153: {  	_ = 	snop  }
0x154: {  	[tilespmem:s11], [sflag:$0x1] =	stream.indirect_vreg.gather [hbm4b:s2+s3], $0x80, v47, vm0, $0xb8;
	[tilespmem:$0x1C380] =	vst v63  }
0x155: {  	_ = 	snop  }
0x156: {  	[tilespmem:s13], [sflag:$0x1] =	stream.indirect_vreg.gather [hbm4b:s4+s3], $0x80, v47, vm0, $0xb8;
	[tilespmem:$0x1C380] =	vst v63  }
0x157: {  	_ = 	snop  }
0x158: {  	[tilespmem:s14], [sflag:$0x1] =	stream.indirect_vreg.gather [hbm4b:s6+s3], $0x80, v47, vm0, $0xb8;
	[tilespmem:$0x1C380] =	vst v63  }
0x159: {  	_ = 	snop  }
0x15a: {  	[tilespmem:s1], [sflag:$0x1] =	stream.indirect_vreg.gather [hbm4b:s8+s3], $0x80, v47, vm0, $0xb8;
	[tilespmem:$0x1C380] =	vst v63  }
0x15b: {  	_ =	swait.ge [sflag:s23], $0x4000  }
0x15c: {  	[sflag:s23] =	ssyncset.done $0x0  }
0x15d: {  	s19 =	simm.s32 $0x8000;
	s18 =	rddreg [dreg:$0xb];
	[sflag:s23] =	ssyncadd.s32 $0xFFFFC000  }
0x15e: {  	[hbm4b:s18+s3] =	stream.linear.scatter [tilespmem:s19], [sflag:$0x2], $0x4000, $0x38;
	[tilespmem:$0x1C380] =	vst v63  }
0x15f: {  	_ =	swait.ge [sflag:s23], $0x4000  }
0x160: {  	[sflag:s23] =	ssyncset.done $0x0  }
0x161: {  	s0 =	simm.s32 $0xC000;
	s20 =	rddreg [dreg:$0xc];
	[sflag:s23] =	ssyncadd.s32 $0xFFFFC000  }
0x162: {  	[hbm4b:s20+s3] =	stream.linear.scatter [tilespmem:s0], [sflag:$0x2], $0x4000, $0x38;
	[tilespmem:$0x1C380] =	vst v63  }
0x163: {  	_ =	swait.ge [sflag:s23], $0x4000  }
0x164: {  	[sflag:s23] =	ssyncset.done $0x0  }
0x165: {  	s21 =	rddreg [dreg:$0xd];
	[sflag:s23] =	ssyncadd.s32 $0xFFFFC000  }
0x166: {  	[hbm4b:s21+s3] =	stream.linear.scatter [tilespmem:s17], [sflag:$0x2], $0x4000, $0x38;
	[tilespmem:$0x1C380] =	vst v63  }
0x167: {  	_ =	swait.ge [sflag:s23], $0x4000  }
0x168: {  	[sflag:s23] =	ssyncset.done $0x0  }
0x169: {  	s22 =	rddreg [dreg:$0xe];
	[sflag:s23] =	ssyncadd.s32 $0xFFFFC000  }
0x16a: {  	[hbm4b:s22+s3] =	stream.linear.scatter [tilespmem:s16], [sflag:$0x2], $0x4000, $0x38;
	[tilespmem:$0x1C380] =	vst v63  }
0x16b: {  	_ =	swait.ge [sflag:s23], $0x4000  }
0x16c: {  	[sflag:s23] =	ssyncset.done $0x0  }
0x16d: {  	s26 =	rddreg [dreg:$0xf];
	[sflag:s23] =	ssyncadd.s32 $0xFFFFC000  }
0x16e: {  	[hbm4b:s26+s3] =	stream.linear.scatter [tilespmem:s7], [sflag:$0x2], $0x4000, $0x38;
	[tilespmem:$0x1C380] =	vst v63  }
0x16f: {  	_ =	swait.ge [sflag:s23], $0x4000  }
0x170: {  	[sflag:s23] =	ssyncset.done $0x0  }
0x171: {  	s28 =	rddreg [dreg:$0x10];
	[sflag:s23] =	ssyncadd.s32 $0xFFFFC000  }
0x172: {  	[hbm4b:s28+s3] =	stream.linear.scatter [tilespmem:s3], [sflag:$0x2], $0x4000, $0x38;
	[tilespmem:$0x1C380] =	vst v63  }
0x173: {  	_ =	swait.ge [sflag:s23], $0x4000  }
0x174: {  	[sflag:s23] =	ssyncset.done $0x0  }
0x175: {  	s29 =	rddreg [dreg:$0x11];
	[sflag:s23] =	ssyncadd.s32 $0xFFFFC000  }
0x176: {  	[hbm4b:s29+s3] =	stream.linear.scatter [tilespmem:s31], [sflag:$0x2], $0x4000, $0x38;
	[tilespmem:$0x1C380] =	vst v63  }
0x177: {  	_ =	swait.ge [sflag:s24], $0x4000  }
0x178: {  	[sflag:s24] =	ssyncset.done $0x0  }
0x179: {  	[sflag:s24] =	ssyncadd.s32 $0xFFFFC000  }
0x17a: {  	_ =	swait.ge [sflag:s24], $0x4000  }
0x17b: {  	[sflag:s24] =	ssyncset.done $0x0  }
0x17c: {  	[sflag:s24] =	ssyncadd.s32 $0xFFFFC000  }
0x17d: {  	_ =	swait.ge [sflag:s24], $0x4000  }
0x17e: {  	[sflag:s24] =	ssyncset.done $0x0  }
0x17f: {  	[sflag:s24] =	ssyncadd.s32 $0xFFFFC000  }
0x180: {  	_ =	swait.ge [sflag:s24], $0x4000  }
0x181: {  	[sflag:s24] =	ssyncset.done $0x0  }
0x182: {  	[sflag:s24] =	ssyncadd.s32 $0xFFFFC000  }
0x183: {  	_ =	swait.ge [sflag:s24], $0x4000  }
0x184: {  	s30 =	rddreg [dreg:$0x13]  }
0x185: {  	s0 =	ssub.s32 $0x2, s30  }
0x186: {  	s31 =	sshrl.u32 s0, $0x1  }
0x187: {  	s25 =	ssub.s32 s0, s31  }
0x188: {  	[sflag:s24] =	ssyncset.done $0x0;
	s25 =	smax.u32 s25, $0x1  }
0x189: {  	[sflag:s24] =	ssyncadd.s32 $0xFFFFC000;
	p0 =	sne.s32 s25, $0x1  }
.Ltmp0:
0x18a: {  	_ =	swait.ge [sflag:s24], $0x4000;
	(pc) =	sbr.rel @!p0 .LBB2_3-.Ltmp0, $4  }
0x18b: {  	[sflag:s24] =	ssyncset.done $0x0  }
0x18c: {  	[sflag:s24] =	ssyncadd.s32 $0xFFFFC000  }
0x18d: {  	_ =	swait.ge [sflag:s24], $0x4000  }
0x18e: {  	s25 =	sadd.s32 $0xFFFFFFFF, s25;
	[sflag:s24] =	ssyncset.done $0x0  }
0x18f: {  	s9 =	simm.s32 $0x4000;
	s29 =	simm.s32 $0xA000;
	s28 =	simm.s32 $0xA800  }
0x190: {  	s30 =	simm.s32 $0xB000;
	s14 =	simm.s32 $0xB800;
	s17 =	simm.s32 $0xC800  }
0x191: {  	s10 =	simm.s32 $0xD000;
	s11 =	simm.s32 $0xD800;
	s12 =	simm.s32 $0xE000  }
0x192: {  	s13 =	simm.s32 $0xE800;
	s15 =	simm.s32 $0xF000;
	s16 =	simm.s32 $0xF800  }
0x193: {  	s19 =	simm.s32 $0x11800;
	s20 =	simm.s32 $0x12000;
	s21 =	simm.s32 $0x12800  }
0x194: {  	s22 =	simm.s32 $0x13000;
	s31 =	simm.s32 $0x13800;
	s18 =	simm.s32 $0x18000  }
.LBB2_2:
0x195: {  	[sflag:s24] =	ssyncadd.s32 $0xFFFFC000  }
0x196: {  	[tilespmem:$0x1C000] =	vst v0  }
0x197: {  	[tilespmem:s3], [sflag:$0x1] =	stream.indirect_vreg.gather [hbm4b:s2+s3], $0x80, v1, vm0, $0xb8;
	[tilespmem:$0x1C380] =	vst v63  }
0x198: {  	s0 =	simm.s32 $0x800  }
0x199: {  	[tilespmem:s0], [sflag:$0x1] =	stream.indirect_vreg.gather [hbm4b:s4+s3], $0x80, v1, vm0, $0xb8;
	[tilespmem:$0x1C380] =	vst v63  }
0x19a: {  	s5 =	simm.s32 $0x1000  }
0x19b: {  	[tilespmem:s5], [sflag:$0x1] =	stream.indirect_vreg.gather [hbm4b:s6+s3], $0x80, v1, vm0, $0xb8;
	[tilespmem:$0x1C380] =	vst v63  }
0x19c: {  	s7 =	simm.s32 $0x1800  }
0x19d: {  	[tilespmem:s7], [sflag:$0x1] =	stream.indirect_vreg.gather [hbm4b:s8+s3], $0x80, v1, vm0, $0xb8;
	[tilespmem:$0x1C380] =	vst v63  }
0x19e: {  	s26 =	simm.s32 $0x2000  }
0x19f: {  	[tilespmem:s26], [sflag:$0x1] =	stream.indirect_vreg.gather [hbm4b:s2+s3], $0x80, v2, vm0, $0xb8;
	[tilespmem:$0x1C380] =	vst v63  }
0x1a0: {  	s1 =	simm.s32 $0x2800  }
0x1a1: {  	[tilespmem:s1], [sflag:$0x1] =	stream.indirect_vreg.gather [hbm4b:s4+s3], $0x80, v2, vm0, $0xb8;
	[tilespmem:$0x1C380] =	vst v63  }
0x1a2: {  	s5 =	simm.s32 $0x3000  }
0x1a3: {  	[tilespmem:s5], [sflag:$0x1] =	stream.indirect_vreg.gather [hbm4b:s6+s3], $0x80, v2, vm0, $0xb8;
	[tilespmem:$0x1C380] =	vst v63  }
0x1a4: {  	s7 =	simm.s32 $0x3800  }
0x1a5: {  	[tilespmem:s7], [sflag:$0x1] =	stream.indirect_vreg.gather [hbm4b:s8+s3], $0x80, v2, vm0, $0xb8;
	[tilespmem:$0x1C380] =	vst v63  }
0x1a6: {  	[tilespmem:$0x1C080] =	vst v3  }
0x1a7: {  	[tilespmem:s9], [sflag:$0x1] =	stream.indirect_vreg.gather [hbm4b:s2+s3], $0x80, v4, vm0, $0xb8;
	[tilespmem:$0x1C380] =	vst v63  }
0x1a8: {  	s26 =	simm.s32 $0x4800  }
0x1a9: {  	[tilespmem:s26], [sflag:$0x1] =	stream.indirect_vreg.gather [hbm4b:s4+s3], $0x80, v4, vm0, $0xb8;
	[tilespmem:$0x1C380] =	vst v63  }
0x1aa: {  	s1 =	simm.s32 $0x5000  }
0x1ab: {  	[tilespmem:s1], [sflag:$0x1] =	stream.indirect_vreg.gather [hbm4b:s6+s3], $0x80, v4, vm0, $0xb8;
	[tilespmem:$0x1C380] =	vst v63  }
0x1ac: {  	s5 =	simm.s32 $0x5800  }
0x1ad: {  	[tilespmem:s5], [sflag:$0x1] =	stream.indirect_vreg.gather [hbm4b:s8+s3], $0x80, v4, vm0, $0xb8;
	[tilespmem:$0x1C380] =	vst v63  }
0x1ae: {  	s7 =	simm.s32 $0x6000  }
0x1af: {  	[tilespmem:s7], [sflag:$0x1] =	stream.indirect_vreg.gather [hbm4b:s2+s3], $0x80, v5, vm0, $0xb8;
	[tilespmem:$0x1C380] =	vst v63  }
0x1b0: {  	s26 =	simm.s32 $0x6800  }
0x1b1: {  	[tilespmem:s26], [sflag:$0x1] =	stream.indirect_vreg.gather [hbm4b:s4+s3], $0x80, v5, vm0, $0xb8;
	[tilespmem:$0x1C380] =	vst v63  }
0x1b2: {  	s1 =	simm.s32 $0x7000  }
0x1b3: {  	[tilespmem:s1], [sflag:$0x1] =	stream.indirect_vreg.gather [hbm4b:s6+s3], $0x80, v5, vm0, $0xb8;
	[tilespmem:$0x1C380] =	vst v63  }
0x1b4: {  	s5 =	simm.s32 $0x7800  }
0x1b5: {  	[tilespmem:s5], [sflag:$0x1] =	stream.indirect_vreg.gather [hbm4b:s8+s3], $0x80, v5, vm0, $0xb8;
	[tilespmem:$0x1C380] =	vst v63  }
0x1b6: {  	s7 =	simm.s32 $0x8000;
	[tilespmem:$0x1C100] =	vst v6  }
0x1b7: {  	[tilespmem:s7], [sflag:$0x1] =	stream.indirect_vreg.gather [hbm4b:s2+s3], $0x80, v7, vm0, $0xb8;
	[tilespmem:$0x1C380] =	vst v63  }
0x1b8: {  	s7 =	simm.s32 $0x8800  }
0x1b9: {  	[tilespmem:s7], [sflag:$0x1] =	stream.indirect_vreg.gather [hbm4b:s4+s3], $0x80, v7, vm0, $0xb8;
	[tilespmem:$0x1C380] =	vst v63  }
0x1ba: {  	s1 =	simm.s32 $0x9000  }
0x1bb: {  	[tilespmem:s1], [sflag:$0x1] =	stream.indirect_vreg.gather [hbm4b:s6+s3], $0x80, v7, vm0, $0xb8;
	[tilespmem:$0x1C380] =	vst v63  }
0x1bc: {  	s5 =	simm.s32 $0x9800  }
0x1bd: {  	[tilespmem:s5], [sflag:$0x1] =	stream.indirect_vreg.gather [hbm4b:s8+s3], $0x80, v7, vm0, $0xb8;
	[tilespmem:$0x1C380] =	vst v63  }
0x1be: {  	_ = 	snop  }
0x1bf: {  	[tilespmem:s29], [sflag:$0x1] =	stream.indirect_vreg.gather [hbm4b:s2+s3], $0x80, v8, vm0, $0xb8;
	[tilespmem:$0x1C380] =	vst v63  }
0x1c0: {  	_ = 	snop  }
0x1c1: {  	[tilespmem:s28], [sflag:$0x1] =	stream.indirect_vreg.gather [hbm4b:s4+s3], $0x80, v8, vm0, $0xb8;
	[tilespmem:$0x1C380] =	vst v63  }
0x1c2: {  	_ = 	snop  }
0x1c3: {  	[tilespmem:s30], [sflag:$0x1] =	stream.indirect_vreg.gather [hbm4b:s6+s3], $0x80, v8, vm0, $0xb8;
	[tilespmem:$0x1C380] =	vst v63  }
0x1c4: {  	_ = 	snop  }
0x1c5: {  	[tilespmem:s14], [sflag:$0x1] =	stream.indirect_vreg.gather [hbm4b:s8+s3], $0x80, v8, vm0, $0xb8;
	[tilespmem:$0x1C380] =	vst v63  }
0x1c6: {  	s26 =	simm.s32 $0xC000;
	[tilespmem:$0x1C180] =	vst v9  }
0x1c7: {  	[tilespmem:s26], [sflag:$0x1] =	stream.indirect_vreg.gather [hbm4b:s2+s3], $0x80, v10, vm0, $0xb8;
	[tilespmem:$0x1C380] =	vst v63  }
0x1c8: {  	_ = 	snop  }
0x1c9: {  	[tilespmem:s17], [sflag:$0x1] =	stream.indirect_vreg.gather [hbm4b:s4+s3], $0x80, v10, vm0, $0xb8;
	[tilespmem:$0x1C380] =	vst v63  }
0x1ca: {  	_ = 	snop  }
0x1cb: {  	[tilespmem:s10], [sflag:$0x1] =	stream.indirect_vreg.gather [hbm4b:s6+s3], $0x80, v10, vm0, $0xb8;
	[tilespmem:$0x1C380] =	vst v63  }
0x1cc: {  	_ = 	snop  }
0x1cd: {  	[tilespmem:s11], [sflag:$0x1] =	stream.indirect_vreg.gather [hbm4b:s8+s3], $0x80, v10, vm0, $0xb8;
	[tilespmem:$0x1C380] =	vst v63  }
0x1ce: {  	_ = 	snop  }
0x1cf: {  	[tilespmem:s12], [sflag:$0x1] =	stream.indirect_vreg.gather [hbm4b:s2+s3], $0x80, v11, vm0, $0xb8;
	[tilespmem:$0x1C380] =	vst v63  }
0x1d0: {  	_ = 	snop  }
0x1d1: {  	[tilespmem:s13], [sflag:$0x1] =	stream.indirect_vreg.gather [hbm4b:s4+s3], $0x80, v11, vm0, $0xb8;
	[tilespmem:$0x1C380] =	vst v63  }
0x1d2: {  	_ = 	snop  }
0x1d3: {  	[tilespmem:s15], [sflag:$0x1] =	stream.indirect_vreg.gather [hbm4b:s6+s3], $0x80, v11, vm0, $0xb8;
	[tilespmem:$0x1C380] =	vst v63  }
0x1d4: {  	_ = 	snop  }
0x1d5: {  	[tilespmem:s16], [sflag:$0x1] =	stream.indirect_vreg.gather [hbm4b:s8+s3], $0x80, v11, vm0, $0xb8;
	[tilespmem:$0x1C380] =	vst v63  }
0x1d6: {  	s26 =	simm.s32 $0x10000;
	[tilespmem:$0x1C200] =	vst v12  }
0x1d7: {  	[tilespmem:s26], [sflag:$0x1] =	stream.indirect_vreg.gather [hbm4b:s2+s3], $0x80, v13, vm0, $0xb8;
	[tilespmem:$0x1C380] =	vst v63  }
0x1d8: {  	s26 =	simm.s32 $0x10800  }
0x1d9: {  	[tilespmem:s26], [sflag:$0x1] =	stream.indirect_vreg.gather [hbm4b:s4+s3], $0x80, v13, vm0, $0xb8;
	[tilespmem:$0x1C380] =	vst v63  }
0x1da: {  	s26 =	simm.s32 $0x11000  }
0x1db: {  	[tilespmem:s26], [sflag:$0x1] =	stream.indirect_vreg.gather [hbm4b:s6+s3], $0x80, v13, vm0, $0xb8;
	[tilespmem:$0x1C380] =	vst v63  }
0x1dc: {  	_ = 	snop  }
0x1dd: {  	[tilespmem:s19], [sflag:$0x1] =	stream.indirect_vreg.gather [hbm4b:s8+s3], $0x80, v13, vm0, $0xb8;
	[tilespmem:$0x1C380] =	vst v63  }
0x1de: {  	_ = 	snop  }
0x1df: {  	[tilespmem:s20], [sflag:$0x1] =	stream.indirect_vreg.gather [hbm4b:s2+s3], $0x80, v14, vm0, $0xb8;
	[tilespmem:$0x1C380] =	vst v63  }
0x1e0: {  	_ = 	snop  }
0x1e1: {  	[tilespmem:s21], [sflag:$0x1] =	stream.indirect_vreg.gather [hbm4b:s4+s3], $0x80, v14, vm0, $0xb8;
	[tilespmem:$0x1C380] =	vst v63  }
0x1e2: {  	_ = 	snop  }
0x1e3: {  	[tilespmem:s22], [sflag:$0x1] =	stream.indirect_vreg.gather [hbm4b:s6+s3], $0x80, v14, vm0, $0xb8;
	[tilespmem:$0x1C380] =	vst v63  }
0x1e4: {  	_ = 	snop  }
0x1e5: {  	[tilespmem:s31], [sflag:$0x1] =	stream.indirect_vreg.gather [hbm4b:s8+s3], $0x80, v14, vm0, $0xb8;
	[tilespmem:$0x1C380] =	vst v63  }
0x1e6: {  	s26 =	simm.s32 $0x14000;
	[tilespmem:$0x1C280] =	vst v15  }
0x1e7: {  	[tilespmem:s26], [sflag:$0x1] =	stream.indirect_vreg.gather [hbm4b:s2+s3], $0x80, v16, vm0, $0xb8;
	[tilespmem:$0x1C380] =	vst v63  }
0x1e8: {  	s26 =	simm.s32 $0x14800  }
0x1e9: {  	[tilespmem:s26], [sflag:$0x1] =	stream.indirect_vreg.gather [hbm4b:s4+s3], $0x80, v16, vm0, $0xb8;
	[tilespmem:$0x1C380] =	vst v63  }
0x1ea: {  	s26 =	simm.s32 $0x15000  }
0x1eb: {  	[tilespmem:s26], [sflag:$0x1] =	stream.indirect_vreg.gather [hbm4b:s6+s3], $0x80, v16, vm0, $0xb8;
	[tilespmem:$0x1C380] =	vst v63  }
0x1ec: {  	s26 =	simm.s32 $0x15800  }
0x1ed: {  	[tilespmem:s26], [sflag:$0x1] =	stream.indirect_vreg.gather [hbm4b:s8+s3], $0x80, v16, vm0, $0xb8;
	[tilespmem:$0x1C380] =	vst v63  }
0x1ee: {  	s26 =	simm.s32 $0x16000  }
0x1ef: {  	[tilespmem:s26], [sflag:$0x1] =	stream.indirect_vreg.gather [hbm4b:s2+s3], $0x80, v17, vm0, $0xb8;
	[tilespmem:$0x1C380] =	vst v63  }
0x1f0: {  	s26 =	simm.s32 $0x16800  }
0x1f1: {  	[tilespmem:s26], [sflag:$0x1] =	stream.indirect_vreg.gather [hbm4b:s4+s3], $0x80, v17, vm0, $0xb8;
	[tilespmem:$0x1C380] =	vst v63  }
0x1f2: {  	s26 =	simm.s32 $0x17000  }
0x1f3: {  	[tilespmem:s26], [sflag:$0x1] =	stream.indirect_vreg.gather [hbm4b:s6+s3], $0x80, v17, vm0, $0xb8;
	[tilespmem:$0x1C380] =	vst v63  }
0x1f4: {  	s26 =	simm.s32 $0x17800  }
0x1f5: {  	[tilespmem:s26], [sflag:$0x1] =	stream.indirect_vreg.gather [hbm4b:s8+s3], $0x80, v17, vm0, $0xb8;
	[tilespmem:$0x1C380] =	vst v63  }
0x1f6: {  	[tilespmem:$0x1C300] =	vst v18  }
0x1f7: {  	[tilespmem:s18], [sflag:$0x1] =	stream.indirect_vreg.gather [hbm4b:s2+s3], $0x80, v19, vm0, $0xb8;
	[tilespmem:$0x1C380] =	vst v63  }
0x1f8: {  	s26 =	simm.s32 $0x18800  }
0x1f9: {  	[tilespmem:s26], [sflag:$0x1] =	stream.indirect_vreg.gather [hbm4b:s4+s3], $0x80, v19, vm0, $0xb8;
	[tilespmem:$0x1C380] =	vst v63  }
0x1fa: {  	s26 =	simm.s32 $0x19000  }
0x1fb: {  	[tilespmem:s26], [sflag:$0x1] =	stream.indirect_vreg.gather [hbm4b:s6+s3], $0x80, v19, vm0, $0xb8;
	[tilespmem:$0x1C380] =	vst v63  }
0x1fc: {  	s26 =	simm.s32 $0x19800  }
0x1fd: {  	[tilespmem:s26], [sflag:$0x1] =	stream.indirect_vreg.gather [hbm4b:s8+s3], $0x80, v19, vm0, $0xb8;
	[tilespmem:$0x1C380] =	vst v63  }
0x1fe: {  	s26 =	simm.s32 $0x1A000  }
0x1ff: {  	[tilespmem:s26], [sflag:$0x1] =	stream.indirect_vreg.gather [hbm4b:s2+s3], $0x80, v20, vm0, $0xb8;
	[tilespmem:$0x1C380] =	vst v63  }
0x200: {  	s26 =	simm.s32 $0x1A800  }
0x201: {  	[tilespmem:s26], [sflag:$0x1] =	stream.indirect_vreg.gather [hbm4b:s4+s3], $0x80, v20, vm0, $0xb8;
	[tilespmem:$0x1C380] =	vst v63  }
0x202: {  	s26 =	simm.s32 $0x1B000  }
0x203: {  	[tilespmem:s26], [sflag:$0x1] =	stream.indirect_vreg.gather [hbm4b:s6+s3], $0x80, v20, vm0, $0xb8;
	[tilespmem:$0x1C380] =	vst v63  }
0x204: {  	s26 =	simm.s32 $0x1B800  }
0x205: {  	[tilespmem:s26], [sflag:$0x1] =	stream.indirect_vreg.gather [hbm4b:s8+s3], $0x80, v20, vm0, $0xb8;
	[tilespmem:$0x1C380] =	vst v63  }
0x206: {  	_ =	swait.ge [sflag:s23], $0x4000  }
0x207: {  	[sflag:s23] =	ssyncset.done $0x0  }
0x208: {  	s26 =	rddreg [dreg:$0x12];
	[sflag:s23] =	ssyncadd.s32 $0xFFFFC000  }
0x209: {  	[hbm4b:s26+s3] =	stream.linear.scatter [tilespmem:s3], [sflag:$0x2], $0x4000, $0x38;
	[tilespmem:$0x1C380] =	vst v63  }
0x20a: {  	_ =	swait.ge [sflag:s24], $0x4000  }
0x20b: {  	[sflag:s24] =	ssyncset.done $0x0  }
0x20c: {  	[sflag:s24] =	ssyncadd.s32 $0xFFFFC000  }
0x20d: {  	[tilespmem:$0x1C000] =	vst v21  }
0x20e: {  	[tilespmem:s3], [sflag:$0x1] =	stream.indirect_vreg.gather [hbm4b:s2+s3], $0x80, v22, vm0, $0xb8;
	[tilespmem:$0x1C380] =	vst v63  }
0x20f: {  	s26 =	simm.s32 $0x800  }
0x210: {  	[tilespmem:s26], [sflag:$0x1] =	stream.indirect_vreg.gather [hbm4b:s4+s3], $0x80, v22, vm0, $0xb8;
	[tilespmem:$0x1C380] =	vst v63  }
0x211: {  	s26 =	simm.s32 $0x1000  }
0x212: {  	[tilespmem:s26], [sflag:$0x1] =	stream.indirect_vreg.gather [hbm4b:s6+s3], $0x80, v22, vm0, $0xb8;
	[tilespmem:$0x1C380] =	vst v63  }
0x213: {  	s26 =	simm.s32 $0x1800  }
0x214: {  	[tilespmem:s26], [sflag:$0x1] =	stream.indirect_vreg.gather [hbm4b:s8+s3], $0x80, v22, vm0, $0xb8;
	[tilespmem:$0x1C380] =	vst v63  }
0x215: {  	s26 =	simm.s32 $0x2000  }
0x216: {  	[tilespmem:s26], [sflag:$0x1] =	stream.indirect_vreg.gather [hbm4b:s2+s3], $0x80, v23, vm0, $0xb8;
	[tilespmem:$0x1C380] =	vst v63  }
0x217: {  	s26 =	simm.s32 $0x2800  }
0x218: {  	[tilespmem:s26], [sflag:$0x1] =	stream.indirect_vreg.gather [hbm4b:s4+s3], $0x80, v23, vm0, $0xb8;
	[tilespmem:$0x1C380] =	vst v63  }
0x219: {  	s26 =	simm.s32 $0x3000  }
0x21a: {  	[tilespmem:s26], [sflag:$0x1] =	stream.indirect_vreg.gather [hbm4b:s6+s3], $0x80, v23, vm0, $0xb8;
	[tilespmem:$0x1C380] =	vst v63  }
0x21b: {  	s26 =	simm.s32 $0x3800  }
0x21c: {  	[tilespmem:s26], [sflag:$0x1] =	stream.indirect_vreg.gather [hbm4b:s8+s3], $0x80, v23, vm0, $0xb8;
	[tilespmem:$0x1C380] =	vst v63  }
0x21d: {  	_ =	swait.ge [sflag:s23], $0x4000  }
0x21e: {  	[sflag:s23] =	ssyncset.done $0x0  }
0x21f: {  	s0 =	rddreg [dreg:$0x3];
	[sflag:s23] =	ssyncadd.s32 $0xFFFFC000  }
0x220: {  	[hbm4b:s0+s3] =	stream.linear.scatter [tilespmem:s9], [sflag:$0x2], $0x4000, $0x38;
	[tilespmem:$0x1C380] =	vst v63  }
0x221: {  	_ =	swait.ge [sflag:s24], $0x4000  }
0x222: {  	[sflag:s24] =	ssyncset.done $0x0  }
0x223: {  	[sflag:s24] =	ssyncadd.s32 $0xFFFFC000  }
0x224: {  	[tilespmem:$0x1C080] =	vst v24  }
0x225: {  	[tilespmem:s9], [sflag:$0x1] =	stream.indirect_vreg.gather [hbm4b:s2+s3], $0x80, v25, vm0, $0xb8;
	[tilespmem:$0x1C380] =	vst v63  }
0x226: {  	s26 =	simm.s32 $0x4800  }
0x227: {  	[tilespmem:s26], [sflag:$0x1] =	stream.indirect_vreg.gather [hbm4b:s4+s3], $0x80, v25, vm0, $0xb8;
	[tilespmem:$0x1C380] =	vst v63  }
0x228: {  	s26 =	simm.s32 $0x5000  }
0x229: {  	[tilespmem:s26], [sflag:$0x1] =	stream.indirect_vreg.gather [hbm4b:s6+s3], $0x80, v25, vm0, $0xb8;
	[tilespmem:$0x1C380] =	vst v63  }
0x22a: {  	s26 =	simm.s32 $0x5800  }
0x22b: {  	[tilespmem:s26], [sflag:$0x1] =	stream.indirect_vreg.gather [hbm4b:s8+s3], $0x80, v25, vm0, $0xb8;
	[tilespmem:$0x1C380] =	vst v63  }
0x22c: {  	s26 =	simm.s32 $0x6000  }
0x22d: {  	[tilespmem:s26], [sflag:$0x1] =	stream.indirect_vreg.gather [hbm4b:s2+s3], $0x80, v26, vm0, $0xb8;
	[tilespmem:$0x1C380] =	vst v63  }
0x22e: {  	s26 =	simm.s32 $0x6800  }
0x22f: {  	[tilespmem:s26], [sflag:$0x1] =	stream.indirect_vreg.gather [hbm4b:s4+s3], $0x80, v26, vm0, $0xb8;
	[tilespmem:$0x1C380] =	vst v63  }
0x230: {  	s26 =	simm.s32 $0x7000  }
0x231: {  	[tilespmem:s26], [sflag:$0x1] =	stream.indirect_vreg.gather [hbm4b:s6+s3], $0x80, v26, vm0, $0xb8;
	[tilespmem:$0x1C380] =	vst v63  }
0x232: {  	s26 =	simm.s32 $0x7800  }
0x233: {  	[tilespmem:s26], [sflag:$0x1] =	stream.indirect_vreg.gather [hbm4b:s8+s3], $0x80, v26, vm0, $0xb8;
	[tilespmem:$0x1C380] =	vst v63  }
0x234: {  	_ =	swait.ge [sflag:s23], $0x4000  }
0x235: {  	[sflag:s23] =	ssyncset.done $0x0  }
0x236: {  	s0 =	simm.s32 $0x8000;
	s26 =	rddreg [dreg:$0x4];
	[sflag:s23] =	ssyncadd.s32 $0xFFFFC000  }
0x237: {  	[hbm4b:s26+s3] =	stream.linear.scatter [tilespmem:s0], [sflag:$0x2], $0x4000, $0x38;
	[tilespmem:$0x1C380] =	vst v63  }
0x238: {  	_ =	swait.ge [sflag:s24], $0x4000  }
0x239: {  	[sflag:s24] =	ssyncset.done $0x0  }
0x23a: {  	[sflag:s24] =	ssyncadd.s32 $0xFFFFC000  }
0x23b: {  	[tilespmem:$0x1C100] =	vst v27  }
0x23c: {  	[tilespmem:s0], [sflag:$0x1] =	stream.indirect_vreg.gather [hbm4b:s2+s3], $0x80, v28, vm0, $0xb8;
	[tilespmem:$0x1C380] =	vst v63  }
0x23d: {  	_ = 	snop  }
0x23e: {  	[tilespmem:s7], [sflag:$0x1] =	stream.indirect_vreg.gather [hbm4b:s4+s3], $0x80, v28, vm0, $0xb8;
	[tilespmem:$0x1C380] =	vst v63  }
0x23f: {  	_ = 	snop  }
0x240: {  	[tilespmem:s1], [sflag:$0x1] =	stream.indirect_vreg.gather [hbm4b:s6+s3], $0x80, v28, vm0, $0xb8;
	[tilespmem:$0x1C380] =	vst v63  }
0x241: {  	_ = 	snop  }
0x242: {  	[tilespmem:s5], [sflag:$0x1] =	stream.indirect_vreg.gather [hbm4b:s8+s3], $0x80, v28, vm0, $0xb8;
	[tilespmem:$0x1C380] =	vst v63  }
0x243: {  	_ = 	snop  }
0x244: {  	[tilespmem:s29], [sflag:$0x1] =	stream.indirect_vreg.gather [hbm4b:s2+s3], $0x80, v29, vm0, $0xb8;
	[tilespmem:$0x1C380] =	vst v63  }
0x245: {  	_ = 	snop  }
0x246: {  	[tilespmem:s28], [sflag:$0x1] =	stream.indirect_vreg.gather [hbm4b:s4+s3], $0x80, v29, vm0, $0xb8;
	[tilespmem:$0x1C380] =	vst v63  }
0x247: {  	_ = 	snop  }
0x248: {  	[tilespmem:s30], [sflag:$0x1] =	stream.indirect_vreg.gather [hbm4b:s6+s3], $0x80, v29, vm0, $0xb8;
	[tilespmem:$0x1C380] =	vst v63  }
0x249: {  	_ = 	snop  }
0x24a: {  	[tilespmem:s14], [sflag:$0x1] =	stream.indirect_vreg.gather [hbm4b:s8+s3], $0x80, v29, vm0, $0xb8;
	[tilespmem:$0x1C380] =	vst v63  }
0x24b: {  	_ =	swait.ge [sflag:s23], $0x4000  }
0x24c: {  	[sflag:s23] =	ssyncset.done $0x0  }
0x24d: {  	s7 =	simm.s32 $0xC000;
	s5 =	rddreg [dreg:$0x5];
	[sflag:s23] =	ssyncadd.s32 $0xFFFFC000  }
0x24e: {  	[hbm4b:s5+s3] =	stream.linear.scatter [tilespmem:s7], [sflag:$0x2], $0x4000, $0x38;
	[tilespmem:$0x1C380] =	vst v63  }
0x24f: {  	_ =	swait.ge [sflag:s24], $0x4000  }
0x250: {  	[sflag:s24] =	ssyncset.done $0x0  }
0x251: {  	[sflag:s24] =	ssyncadd.s32 $0xFFFFC000  }
0x252: {  	[tilespmem:$0x1C180] =	vst v30  }
0x253: {  	[tilespmem:s7], [sflag:$0x1] =	stream.indirect_vreg.gather [hbm4b:s2+s3], $0x80, v31, vm0, $0xb8;
	[tilespmem:$0x1C380] =	vst v63  }
0x254: {  	_ = 	snop  }
0x255: {  	[tilespmem:s17], [sflag:$0x1] =	stream.indirect_vreg.gather [hbm4b:s4+s3], $0x80, v31, vm0, $0xb8;
	[tilespmem:$0x1C380] =	vst v63  }
0x256: {  	_ = 	snop  }
0x257: {  	[tilespmem:s10], [sflag:$0x1] =	stream.indirect_vreg.gather [hbm4b:s6+s3], $0x80, v31, vm0, $0xb8;
	[tilespmem:$0x1C380] =	vst v63  }
0x258: {  	_ = 	snop  }
0x259: {  	[tilespmem:s11], [sflag:$0x1] =	stream.indirect_vreg.gather [hbm4b:s8+s3], $0x80, v31, vm0, $0xb8;
	[tilespmem:$0x1C380] =	vst v63  }
0x25a: {  	_ = 	snop  }
0x25b: {  	[tilespmem:s12], [sflag:$0x1] =	stream.indirect_vreg.gather [hbm4b:s2+s3], $0x80, v32, vm0, $0xb8;
	[tilespmem:$0x1C380] =	vst v63  }
0x25c: {  	_ = 	snop  }
0x25d: {  	[tilespmem:s13], [sflag:$0x1] =	stream.indirect_vreg.gather [hbm4b:s4+s3], $0x80, v32, vm0, $0xb8;
	[tilespmem:$0x1C380] =	vst v63  }
0x25e: {  	_ = 	snop  }
0x25f: {  	[tilespmem:s15], [sflag:$0x1] =	stream.indirect_vreg.gather [hbm4b:s6+s3], $0x80, v32, vm0, $0xb8;
	[tilespmem:$0x1C380] =	vst v63  }
0x260: {  	_ = 	snop  }
0x261: {  	[tilespmem:s16], [sflag:$0x1] =	stream.indirect_vreg.gather [hbm4b:s8+s3], $0x80, v32, vm0, $0xb8;
	[tilespmem:$0x1C380] =	vst v63  }
0x262: {  	_ =	swait.ge [sflag:s23], $0x4000  }
0x263: {  	[sflag:s23] =	ssyncset.done $0x0  }
0x264: {  	s5 =	simm.s32 $0x10000;
	s1 =	rddreg [dreg:$0x6];
	[sflag:s23] =	ssyncadd.s32 $0xFFFFC000  }
0x265: {  	[hbm4b:s1+s3] =	stream.linear.scatter [tilespmem:s5], [sflag:$0x2], $0x4000, $0x38;
	[tilespmem:$0x1C380] =	vst v63  }
0x266: {  	_ =	swait.ge [sflag:s24], $0x4000  }
0x267: {  	[sflag:s24] =	ssyncset.done $0x0  }
0x268: {  	[sflag:s24] =	ssyncadd.s32 $0xFFFFC000  }
0x269: {  	[tilespmem:$0x1C200] =	vst v33  }
0x26a: {  	[tilespmem:s5], [sflag:$0x1] =	stream.indirect_vreg.gather [hbm4b:s2+s3], $0x80, v34, vm0, $0xb8;
	[tilespmem:$0x1C380] =	vst v63  }
0x26b: {  	s7 =	simm.s32 $0x10800  }
0x26c: {  	[tilespmem:s7], [sflag:$0x1] =	stream.indirect_vreg.gather [hbm4b:s4+s3], $0x80, v34, vm0, $0xb8;
	[tilespmem:$0x1C380] =	vst v63  }
0x26d: {  	s26 =	simm.s32 $0x11000  }
0x26e: {  	[tilespmem:s26], [sflag:$0x1] =	stream.indirect_vreg.gather [hbm4b:s6+s3], $0x80, v34, vm0, $0xb8;
	[tilespmem:$0x1C380] =	vst v63  }
0x26f: {  	_ = 	snop  }
0x270: {  	[tilespmem:s19], [sflag:$0x1] =	stream.indirect_vreg.gather [hbm4b:s8+s3], $0x80, v34, vm0, $0xb8;
	[tilespmem:$0x1C380] =	vst v63  }
0x271: {  	_ = 	snop  }
0x272: {  	[tilespmem:s20], [sflag:$0x1] =	stream.indirect_vreg.gather [hbm4b:s2+s3], $0x80, v35, vm0, $0xb8;
	[tilespmem:$0x1C380] =	vst v63  }
0x273: {  	_ = 	snop  }
0x274: {  	[tilespmem:s21], [sflag:$0x1] =	stream.indirect_vreg.gather [hbm4b:s4+s3], $0x80, v35, vm0, $0xb8;
	[tilespmem:$0x1C380] =	vst v63  }
0x275: {  	_ = 	snop  }
0x276: {  	[tilespmem:s22], [sflag:$0x1] =	stream.indirect_vreg.gather [hbm4b:s6+s3], $0x80, v35, vm0, $0xb8;
	[tilespmem:$0x1C380] =	vst v63  }
0x277: {  	_ = 	snop  }
0x278: {  	[tilespmem:s31], [sflag:$0x1] =	stream.indirect_vreg.gather [hbm4b:s8+s3], $0x80, v35, vm0, $0xb8;
	[tilespmem:$0x1C380] =	vst v63  }
0x279: {  	_ =	swait.ge [sflag:s23], $0x4000  }
0x27a: {  	[sflag:s23] =	ssyncset.done $0x0  }
0x27b: {  	s7 =	simm.s32 $0x14000;
	s5 =	rddreg [dreg:$0x7];
	[sflag:s23] =	ssyncadd.s32 $0xFFFFC000  }
0x27c: {  	[hbm4b:s5+s3] =	stream.linear.scatter [tilespmem:s7], [sflag:$0x2], $0x4000, $0x38;
	[tilespmem:$0x1C380] =	vst v63  }
0x27d: {  	_ =	swait.ge [sflag:s24], $0x4000  }
0x27e: {  	[sflag:s24] =	ssyncset.done $0x0  }
0x27f: {  	[sflag:s24] =	ssyncadd.s32 $0xFFFFC000  }
0x280: {  	[tilespmem:$0x1C280] =	vst v36  }
0x281: {  	[tilespmem:s7], [sflag:$0x1] =	stream.indirect_vreg.gather [hbm4b:s2+s3], $0x80, v37, vm0, $0xb8;
	[tilespmem:$0x1C380] =	vst v63  }
0x282: {  	s26 =	simm.s32 $0x14800  }
0x283: {  	[tilespmem:s26], [sflag:$0x1] =	stream.indirect_vreg.gather [hbm4b:s4+s3], $0x80, v37, vm0, $0xb8;
	[tilespmem:$0x1C380] =	vst v63  }
0x284: {  	s26 =	simm.s32 $0x15000  }
0x285: {  	[tilespmem:s26], [sflag:$0x1] =	stream.indirect_vreg.gather [hbm4b:s6+s3], $0x80, v37, vm0, $0xb8;
	[tilespmem:$0x1C380] =	vst v63  }
0x286: {  	s26 =	simm.s32 $0x15800  }
0x287: {  	[tilespmem:s26], [sflag:$0x1] =	stream.indirect_vreg.gather [hbm4b:s8+s3], $0x80, v37, vm0, $0xb8;
	[tilespmem:$0x1C380] =	vst v63  }
0x288: {  	s26 =	simm.s32 $0x16000  }
0x289: {  	[tilespmem:s26], [sflag:$0x1] =	stream.indirect_vreg.gather [hbm4b:s2+s3], $0x80, v38, vm0, $0xb8;
	[tilespmem:$0x1C380] =	vst v63  }
0x28a: {  	s26 =	simm.s32 $0x16800  }
0x28b: {  	[tilespmem:s26], [sflag:$0x1] =	stream.indirect_vreg.gather [hbm4b:s4+s3], $0x80, v38, vm0, $0xb8;
	[tilespmem:$0x1C380] =	vst v63  }
0x28c: {  	s26 =	simm.s32 $0x17000  }
0x28d: {  	[tilespmem:s26], [sflag:$0x1] =	stream.indirect_vreg.gather [hbm4b:s6+s3], $0x80, v38, vm0, $0xb8;
	[tilespmem:$0x1C380] =	vst v63  }
0x28e: {  	s26 =	simm.s32 $0x17800  }
0x28f: {  	[tilespmem:s26], [sflag:$0x1] =	stream.indirect_vreg.gather [hbm4b:s8+s3], $0x80, v38, vm0, $0xb8;
	[tilespmem:$0x1C380] =	vst v63  }
0x290: {  	_ =	swait.ge [sflag:s23], $0x4000  }
0x291: {  	[sflag:s23] =	ssyncset.done $0x0  }
0x292: {  	s7 =	rddreg [dreg:$0x8];
	[sflag:s23] =	ssyncadd.s32 $0xFFFFC000  }
0x293: {  	[hbm4b:s7+s3] =	stream.linear.scatter [tilespmem:s18], [sflag:$0x2], $0x4000, $0x38;
	[tilespmem:$0x1C380] =	vst v63  }
0x294: {  	_ =	swait.ge [sflag:s24], $0x4000  }
0x295: {  	[sflag:s24] =	ssyncset.done $0x0  }
0x296: {  	[sflag:s24] =	ssyncadd.s32 $0xFFFFC000  }
0x297: {  	[tilespmem:$0x1C300] =	vst v39  }
0x298: {  	[tilespmem:s18], [sflag:$0x1] =	stream.indirect_vreg.gather [hbm4b:s2+s3], $0x80, v40, vm0, $0xb8;
	[tilespmem:$0x1C380] =	vst v63  }
0x299: {  	s26 =	simm.s32 $0x18800  }
0x29a: {  	[tilespmem:s26], [sflag:$0x1] =	stream.indirect_vreg.gather [hbm4b:s4+s3], $0x80, v40, vm0, $0xb8;
	[tilespmem:$0x1C380] =	vst v63  }
0x29b: {  	s26 =	simm.s32 $0x19000  }
0x29c: {  	[tilespmem:s26], [sflag:$0x1] =	stream.indirect_vreg.gather [hbm4b:s6+s3], $0x80, v40, vm0, $0xb8;
	[tilespmem:$0x1C380] =	vst v63  }
0x29d: {  	s26 =	simm.s32 $0x19800  }
0x29e: {  	[tilespmem:s26], [sflag:$0x1] =	stream.indirect_vreg.gather [hbm4b:s8+s3], $0x80, v40, vm0, $0xb8;
	[tilespmem:$0x1C380] =	vst v63  }
0x29f: {  	s26 =	simm.s32 $0x1A000  }
0x2a0: {  	[tilespmem:s26], [sflag:$0x1] =	stream.indirect_vreg.gather [hbm4b:s2+s3], $0x80, v41, vm0, $0xb8;
	[tilespmem:$0x1C380] =	vst v63  }
0x2a1: {  	s26 =	simm.s32 $0x1A800  }
0x2a2: {  	[tilespmem:s26], [sflag:$0x1] =	stream.indirect_vreg.gather [hbm4b:s4+s3], $0x80, v41, vm0, $0xb8;
	[tilespmem:$0x1C380] =	vst v63  }
0x2a3: {  	s26 =	simm.s32 $0x1B000  }
0x2a4: {  	[tilespmem:s26], [sflag:$0x1] =	stream.indirect_vreg.gather [hbm4b:s6+s3], $0x80, v41, vm0, $0xb8;
	[tilespmem:$0x1C380] =	vst v63  }
0x2a5: {  	s26 =	simm.s32 $0x1B800  }
0x2a6: {  	[tilespmem:s26], [sflag:$0x1] =	stream.indirect_vreg.gather [hbm4b:s8+s3], $0x80, v41, vm0, $0xb8;
	[tilespmem:$0x1C380] =	vst v63  }
0x2a7: {  	_ =	swait.ge [sflag:s23], $0x4000  }
0x2a8: {  	[sflag:s23] =	ssyncset.done $0x0  }
0x2a9: {  	s7 =	rddreg [dreg:$0x9];
	[sflag:s23] =	ssyncadd.s32 $0xFFFFC000  }
0x2aa: {  	[hbm4b:s7+s3] =	stream.linear.scatter [tilespmem:s3], [sflag:$0x2], $0x4000, $0x38;
	[tilespmem:$0x1C380] =	vst v63  }
0x2ab: {  	_ =	swait.ge [sflag:s24], $0x4000  }
0x2ac: {  	[sflag:s24] =	ssyncset.done $0x0  }
0x2ad: {  	[sflag:s24] =	ssyncadd.s32 $0xFFFFC000  }
0x2ae: {  	[tilespmem:$0x1C000] =	vst v42  }
0x2af: {  	[tilespmem:s3], [sflag:$0x1] =	stream.indirect_vreg.gather [hbm4b:s2+s3], $0x80, v43, vm0, $0xb8;
	[tilespmem:$0x1C380] =	vst v63  }
0x2b0: {  	s26 =	simm.s32 $0x800  }
0x2b1: {  	[tilespmem:s26], [sflag:$0x1] =	stream.indirect_vreg.gather [hbm4b:s4+s3], $0x80, v43, vm0, $0xb8;
	[tilespmem:$0x1C380] =	vst v63  }
0x2b2: {  	s26 =	simm.s32 $0x1000  }
0x2b3: {  	[tilespmem:s26], [sflag:$0x1] =	stream.indirect_vreg.gather [hbm4b:s6+s3], $0x80, v43, vm0, $0xb8;
	[tilespmem:$0x1C380] =	vst v63  }
0x2b4: {  	s26 =	simm.s32 $0x1800  }
0x2b5: {  	[tilespmem:s26], [sflag:$0x1] =	stream.indirect_vreg.gather [hbm4b:s8+s3], $0x80, v43, vm0, $0xb8;
	[tilespmem:$0x1C380] =	vst v63  }
0x2b6: {  	s26 =	simm.s32 $0x2000  }
0x2b7: {  	[tilespmem:s26], [sflag:$0x1] =	stream.indirect_vreg.gather [hbm4b:s2+s3], $0x80, v44, vm0, $0xb8;
	[tilespmem:$0x1C380] =	vst v63  }
0x2b8: {  	s26 =	simm.s32 $0x2800  }
0x2b9: {  	[tilespmem:s26], [sflag:$0x1] =	stream.indirect_vreg.gather [hbm4b:s4+s3], $0x80, v44, vm0, $0xb8;
	[tilespmem:$0x1C380] =	vst v63  }
0x2ba: {  	s26 =	simm.s32 $0x3000  }
0x2bb: {  	[tilespmem:s26], [sflag:$0x1] =	stream.indirect_vreg.gather [hbm4b:s6+s3], $0x80, v44, vm0, $0xb8;
	[tilespmem:$0x1C380] =	vst v63  }
0x2bc: {  	s26 =	simm.s32 $0x3800  }
0x2bd: {  	[tilespmem:s26], [sflag:$0x1] =	stream.indirect_vreg.gather [hbm4b:s8+s3], $0x80, v44, vm0, $0xb8;
	[tilespmem:$0x1C380] =	vst v63  }
0x2be: {  	_ =	swait.ge [sflag:s23], $0x4000  }
0x2bf: {  	[sflag:s23] =	ssyncset.done $0x0  }
0x2c0: {  	s7 =	rddreg [dreg:$0xa];
	[sflag:s23] =	ssyncadd.s32 $0xFFFFC000  }
0x2c1: {  	[hbm4b:s7+s3] =	stream.linear.scatter [tilespmem:s9], [sflag:$0x2], $0x4000, $0x38;
	[tilespmem:$0x1C380] =	vst v63  }
0x2c2: {  	_ =	swait.ge [sflag:s24], $0x4000  }
0x2c3: {  	[sflag:s24] =	ssyncset.done $0x0  }
0x2c4: {  	[sflag:s24] =	ssyncadd.s32 $0xFFFFC000  }
0x2c5: {  	[tilespmem:$0x1C080] =	vst v45  }
0x2c6: {  	[tilespmem:s9], [sflag:$0x1] =	stream.indirect_vreg.gather [hbm4b:s2+s3], $0x80, v46, vm0, $0xb8;
	[tilespmem:$0x1C380] =	vst v63  }
0x2c7: {  	s26 =	simm.s32 $0x4800  }
0x2c8: {  	[tilespmem:s26], [sflag:$0x1] =	stream.indirect_vreg.gather [hbm4b:s4+s3], $0x80, v46, vm0, $0xb8;
	[tilespmem:$0x1C380] =	vst v63  }
0x2c9: {  	s26 =	simm.s32 $0x5000  }
0x2ca: {  	[tilespmem:s26], [sflag:$0x1] =	stream.indirect_vreg.gather [hbm4b:s6+s3], $0x80, v46, vm0, $0xb8;
	[tilespmem:$0x1C380] =	vst v63  }
0x2cb: {  	s26 =	simm.s32 $0x5800  }
0x2cc: {  	[tilespmem:s26], [sflag:$0x1] =	stream.indirect_vreg.gather [hbm4b:s8+s3], $0x80, v46, vm0, $0xb8;
	[tilespmem:$0x1C380] =	vst v63  }
0x2cd: {  	s26 =	simm.s32 $0x6000  }
0x2ce: {  	[tilespmem:s26], [sflag:$0x1] =	stream.indirect_vreg.gather [hbm4b:s2+s3], $0x80, v47, vm0, $0xb8;
	[tilespmem:$0x1C380] =	vst v63  }
0x2cf: {  	s26 =	simm.s32 $0x6800  }
0x2d0: {  	[tilespmem:s26], [sflag:$0x1] =	stream.indirect_vreg.gather [hbm4b:s4+s3], $0x80, v47, vm0, $0xb8;
	[tilespmem:$0x1C380] =	vst v63  }
0x2d1: {  	s26 =	simm.s32 $0x7000  }
0x2d2: {  	[tilespmem:s26], [sflag:$0x1] =	stream.indirect_vreg.gather [hbm4b:s6+s3], $0x80, v47, vm0, $0xb8;
	[tilespmem:$0x1C380] =	vst v63  }
0x2d3: {  	s26 =	simm.s32 $0x7800  }
0x2d4: {  	[tilespmem:s26], [sflag:$0x1] =	stream.indirect_vreg.gather [hbm4b:s8+s3], $0x80, v47, vm0, $0xb8;
	[tilespmem:$0x1C380] =	vst v63  }
0x2d5: {  	_ =	swait.ge [sflag:s23], $0x4000  }
0x2d6: {  	[sflag:s23] =	ssyncset.done $0x0  }
0x2d7: {  	s7 =	simm.s32 $0x8000;
	s26 =	rddreg [dreg:$0xb];
	[sflag:s23] =	ssyncadd.s32 $0xFFFFC000  }
0x2d8: {  	[hbm4b:s26+s3] =	stream.linear.scatter [tilespmem:s7], [sflag:$0x2], $0x4000, $0x38;
	[tilespmem:$0x1C380] =	vst v63  }
0x2d9: {  	_ =	swait.ge [sflag:s23], $0x4000  }
0x2da: {  	[sflag:s23] =	ssyncset.done $0x0  }
0x2db: {  	s0 =	simm.s32 $0xC000;
	s7 =	rddreg [dreg:$0xc];
	[sflag:s23] =	ssyncadd.s32 $0xFFFFC000  }
0x2dc: {  	[hbm4b:s7+s3] =	stream.linear.scatter [tilespmem:s0], [sflag:$0x2], $0x4000, $0x38;
	[tilespmem:$0x1C380] =	vst v63  }
0x2dd: {  	_ =	swait.ge [sflag:s23], $0x4000  }
0x2de: {  	[sflag:s23] =	ssyncset.done $0x0  }
0x2df: {  	s1 =	simm.s32 $0x10000;
	s7 =	rddreg [dreg:$0xd];
	[sflag:s23] =	ssyncadd.s32 $0xFFFFC000  }
0x2e0: {  	[hbm4b:s7+s3] =	stream.linear.scatter [tilespmem:s1], [sflag:$0x2], $0x4000, $0x38;
	[tilespmem:$0x1C380] =	vst v63  }
0x2e1: {  	_ =	swait.ge [sflag:s23], $0x4000  }
0x2e2: {  	[sflag:s23] =	ssyncset.done $0x0  }
0x2e3: {  	s5 =	simm.s32 $0x14000;
	s0 =	rddreg [dreg:$0xe];
	[sflag:s23] =	ssyncadd.s32 $0xFFFFC000  }
0x2e4: {  	[hbm4b:s0+s3] =	stream.linear.scatter [tilespmem:s5], [sflag:$0x2], $0x4000, $0x38;
	[tilespmem:$0x1C380] =	vst v63  }
0x2e5: {  	_ =	swait.ge [sflag:s23], $0x4000  }
0x2e6: {  	[sflag:s23] =	ssyncset.done $0x0  }
0x2e7: {  	s1 =	rddreg [dreg:$0xf];
	[sflag:s23] =	ssyncadd.s32 $0xFFFFC000  }
0x2e8: {  	[hbm4b:s1+s3] =	stream.linear.scatter [tilespmem:s18], [sflag:$0x2], $0x4000, $0x38;
	[tilespmem:$0x1C380] =	vst v63  }
0x2e9: {  	_ =	swait.ge [sflag:s23], $0x4000  }
0x2ea: {  	[sflag:s23] =	ssyncset.done $0x0  }
0x2eb: {  	s5 =	rddreg [dreg:$0x10];
	[sflag:s23] =	ssyncadd.s32 $0xFFFFC000  }
0x2ec: {  	[hbm4b:s5+s3] =	stream.linear.scatter [tilespmem:s3], [sflag:$0x2], $0x4000, $0x38;
	[tilespmem:$0x1C380] =	vst v63  }
0x2ed: {  	_ =	swait.ge [sflag:s23], $0x4000  }
0x2ee: {  	[sflag:s23] =	ssyncset.done $0x0  }
0x2ef: {  	s7 =	rddreg [dreg:$0x11];
	[sflag:s23] =	ssyncadd.s32 $0xFFFFC000  }
0x2f0: {  	[hbm4b:s7+s3] =	stream.linear.scatter [tilespmem:s9], [sflag:$0x2], $0x4000, $0x38;
	[tilespmem:$0x1C380] =	vst v63  }
0x2f1: {  	_ =	swait.ge [sflag:s24], $0x4000  }
0x2f2: {  	[sflag:s24] =	ssyncset.done $0x0  }
0x2f3: {  	[sflag:s24] =	ssyncadd.s32 $0xFFFFC000  }
0x2f4: {  	_ =	swait.ge [sflag:s24], $0x4000  }
0x2f5: {  	[sflag:s24] =	ssyncset.done $0x0  }
0x2f6: {  	[sflag:s24] =	ssyncadd.s32 $0xFFFFC000  }
0x2f7: {  	_ =	swait.ge [sflag:s24], $0x4000  }
0x2f8: {  	[sflag:s24] =	ssyncset.done $0x0  }
0x2f9: {  	[sflag:s24] =	ssyncadd.s32 $0xFFFFC000  }
0x2fa: {  	_ =	swait.ge [sflag:s24], $0x4000  }
0x2fb: {  	[sflag:s24] =	ssyncset.done $0x0  }
0x2fc: {  	[sflag:s24] =	ssyncadd.s32 $0xFFFFC000  }
0x2fd: {  	_ =	swait.ge [sflag:s24], $0x4000  }
0x2fe: {  	[sflag:s24] =	ssyncset.done $0x0  }
0x2ff: {  	p0 =	sne.s32 s25, $0x1;
	[sflag:s24] =	ssyncadd.s32 $0xFFFFC000  }
.Ltmp1:
0x300: {  	_ =	swait.ge [sflag:s24], $0x4000;
	(pc) =	sbr.rel @p0 .LBB2_2-.Ltmp1, $4  }
0x301: {  	[sflag:s24] =	ssyncset.done $0x0  }
0x302: {  	[sflag:s24] =	ssyncadd.s32 $0xFFFFC000  }
0x303: {  	_ =	swait.ge [sflag:s24], $0x4000  }
0x304: {  	s25 =	sadd.s32 $0xFFFFFFFF, s25;
	[sflag:s24] =	ssyncset.done $0x0  }
.LBB2_3:
0x305: {  	[sflag:s24] =	ssyncadd.s32 $0xFFFFC000  }
0x306: {  	_ =	sfence.sel $0x180000  }
0x307: {  	[bflag:$0x0] =	sbarrier.arrive $0xFFFF  }
0x308: {  	_ =	strace $0x90000047  }
0x309: {  	s0 =	stileid.u32;
	[bflag:$0x2] =	sbarrier.arrive $0xFFFF  }
0x30a: {  	p0 =	sne.s32 s0, $0x0;
	s0 =	rddreg [dreg:$0x2]  }
0x30b: {  	s0 =	sadd.s32 @!p0 $0x100000, s0  }
0x30c: {  	[sflag:s0] =	ssyncadd.tile.s32 @!p0 $0x1;
	_ =	shalt  }
.Lfunc_end2:
_tile_overlayer_lowered:
.L_overlay_start_2:
0x30d: {  	(tag) =	ssettag $0x2  }
0x30e: {  	s0 =	rddreg [dreg:$0x0];
	s2 =	stileid.u32  }
0x30f: {  	s1 =	rddreg [dreg:$0x1];
	p0 =	sne.s32 s2, $0x0  }
0x310: {  	s3 =	rddreg [dreg:$0x2];
	[bflag:$0x3] =	sbarrier.arrive $0xFFFF;
	s2 =	simm.s32 @!p0 $0x1C03  }
0x311: {  	[timem:s3], [sflag:s2] =	dma.local @!p0 [hbm:s0], s1  }
0x312: {  	s0 =	simm.s32 @!p0 $0x3  }
0x313: {  	_ =	swait.ge @!p0 [sflag:s0], s1  }
0x314: {  	s1 =	ssub.s32 @!p0 $0x0, s1;
	[sflag:s0] =	ssyncset.done @!p0 $0x0  }
0x315: {  	[sflag:s0] =	ssyncadd.s32 @!p0 s1  }
0x316: {  	[bflag:$0x3] =	sbarrier.arrive $0xFFFF  }
0x317: {  	_ =	shalt  }

</sc_bundles>
